<compile_context>
chip_gen: v7x
topology: tpu7x:2x2x1
jax: 0.10.2.dev20260603
libtpu: 0.0.44.dev20260713+nightly
codegen_flags: <defaults>
</compile_context>

<pallas_src>
import dataclasses
import functools

import jax
import jax.numpy as jnp
from jax import lax
from jax.experimental import pallas as pl
from jax.experimental.pallas import tpu as pltpu
from jax.experimental.pallas import tpu_sc as plsc

N = 10000
E = 320000
D = 128
DE = 16
Q = 512
K_MASK = 4
MAX_NBR = 64
RADIUS = 20.0
THRESHOLD = 0.1

NP = 10240
NPT = 10368
TRASH = 10240
QB = 64
NQB = Q // QB

NSC = 2
NSUB = 16
FH = D // NSC
EPW = E // NSUB
CH = 128
NCHUNK = EPW // CH
CHT = EPW - NCHUNK * CH
RPS = NPT // NSUB
ZR = 72


def _s1_body(xt_ref, cb_ref, xp_ref, w1_ref, w2_ref,
             nin_ref, qany_ref, y_ref, h_ref):
    i = pl.program_id(0)
    xb = xp_ref[...]
    y_ref[...] = jnp.dot(xb, w2_ref[...], preferred_element_type=jnp.float32)
    h_ref[...] = jnp.dot(xb, w1_ref[...], preferred_element_type=jnp.float32)
    xt = xt_ref[...]
    x2 = jnp.sum(xt * xt, axis=0)[None, :]
    col = lax.broadcasted_iota(jnp.int32, (1, NP), 1)
    x2 = jnp.where(col < N, x2, jnp.inf)
    cb = cb_ref[...]
    c2 = jnp.sum(cb * cb, axis=1, keepdims=True)
    cx = lax.dot_general(cb, xt, (((1,), (0,)), ((), ())),
                         preferred_element_type=jnp.float32)
    d2 = jnp.maximum(c2 + x2 - 2.0 * cx, 0.0)
    bits = lax.bitcast_convert_type(d2, jnp.int32)
    ans = jnp.zeros((QB, 1), jnp.int32)
    for b in range(30, -1, -1):
        trial = ans | (1 << b)
        cnt = jnp.sum((bits < trial).astype(jnp.int32), axis=1, keepdims=True)
        ans = jnp.where(cnt <= MAX_NBR - 1, trial, ans)
    kth = lax.bitcast_convert_type(ans, jnp.float32)
    t = jnp.minimum(kth, RADIUS * RADIUS)
    sel = d2 <= t
    nin_new = jnp.any(sel, axis=0)[None, :].astype(jnp.int32)
    qany_ref[0, 0, :] = jnp.any(sel, axis=1).astype(jnp.int32)

    @pl.when(i == 0)
    def _():
        nin_ref[...] = nin_new

    @pl.when(i != 0)
    def _():
        nin_ref[...] = nin_ref[...] | nin_new


def _stage1(xt, center, xp, W1, W2, interpret=False):
    NB = NP // NQB
    return pl.pallas_call(
        _s1_body,
        grid=(NQB,),
        in_specs=[
            pl.BlockSpec((D, NP), lambda i: (0, 0)),
            pl.BlockSpec((QB, D), lambda i: (i, 0)),
            pl.BlockSpec((NB, D), lambda i: (i, 0)),
            pl.BlockSpec((D, D), lambda i: (0, 0)),
            pl.BlockSpec((D, D), lambda i: (0, 0)),
        ],
        out_specs=[
            pl.BlockSpec((1, NP), lambda i: (0, 0)),
            pl.BlockSpec((1, 1, QB), lambda i: (i, 0, 0)),
            pl.BlockSpec((NB, D), lambda i: (i, 0)),
            pl.BlockSpec((NB, D), lambda i: (i, 0)),
        ],
        out_shape=[
            jax.ShapeDtypeStruct((1, NP), jnp.int32),
            jax.ShapeDtypeStruct((NQB, 1, QB), jnp.int32),
            jax.ShapeDtypeStruct((NP, D), jnp.float32),
            jax.ShapeDtypeStruct((NP, D), jnp.float32),
        ],
        interpret=interpret,
    )(xt, center, xp, W1, W2)


def _s2_body(src_hbm, dst_hbm, ea_hbm, nin_hbm, xs_hbm, gx_out, ga_out,
             src_v, dst_v, dstp_v, srcg_v, srct_v, dstt_v, dstpt_v, srcgt_v,
             rows_v, ea_v, rowst_v, eat_v, nin_v, zx_v, za_v,
             gx_sh, ga_sh, sem):
    cid = lax.axis_index("c")
    sid = lax.axis_index("s")
    ebase = sid * EPW

    pltpu.sync_copy(nin_hbm, nin_v)

    @pl.loop(0, ZR)
    def _(r):
        za_v[r, :] = jnp.zeros((DE,), jnp.float32)

        @pl.loop(0, FH, step=16)
        def _(j):
            zx_v[r, pl.ds(j, 16)] = jnp.zeros((16,), jnp.float32)

    r0 = sid * RPS

    @pl.loop(0, RPS, step=ZR)
    def _(k):
        pltpu.sync_copy(zx_v, gx_sh.at[pl.ds(r0 + k, ZR)])
        pltpu.sync_copy(za_v, ga_sh.at[pl.ds(r0 + k, ZR)])

    plsc.subcore_barrier()

    def process(e0, src_b, dst_b, dstp_b, srcg_b, rows_b, ea_b, n):
        pltpu.sync_copy(src_hbm.at[pl.ds(e0, n)], src_b)
        pltpu.sync_copy(dst_hbm.at[pl.ds(e0, n)], dst_b)

        @pl.loop(0, n, step=16)
        def _(j):
            s16 = src_b[pl.ds(j, 16)]
            d16 = dst_b[pl.ds(j, 16)]
            ns = plsc.load_gather(nin_v, [s16])
            nd = plsc.load_gather(nin_v, [d16])
            ok = (ns > 0) & (nd > 0)
            srcg_b[pl.ds(j, 16)] = s16 + cid * N
            trash = TRASH + lax.iota(jnp.int32, 16) + j
            dstp_b[pl.ds(j, 16)] = jnp.where(ok, d16, trash)

        cp = pltpu.async_copy(xs_hbm.at[srcg_b], rows_b, sem)

        @pl.when(cid == 0)
        def _():
            pltpu.sync_copy(ea_hbm.at[pl.ds(e0, n)], ea_b)
            pltpu.sync_copy(ea_b, ga_sh.at[dstp_b], add=True)

        cp.wait()
        pltpu.sync_copy(rows_b, gx_sh.at[dstp_b], add=True)

    @pl.loop(0, NCHUNK)
    def _(ci):
        process(ebase + ci * CH, src_v, dst_v, dstp_v, srcg_v,
                rows_v, ea_v, CH)

    process(ebase + NCHUNK * CH, srct_v, dstt_v, dstpt_v, srcgt_v,
            rowst_v, eat_v, CHT)

    plsc.subcore_barrier()
    pltpu.sync_copy(gx_sh.at[pl.ds(r0, RPS)], gx_out.at[cid, pl.ds(r0, RPS)])

    @pl.when(cid == 0)
    def _():
        pltpu.sync_copy(ga_sh.at[pl.ds(r0, RPS)], ga_out.at[pl.ds(r0, RPS)])


def _stage2(src, dst, edge_attr, nin_flat, xsplit):
    mesh = plsc.VectorSubcoreMesh(core_axis_name="c", subcore_axis_name="s")
    cp = pltpu.CompilerParams()
    for fld, val in (("needs_layout_passes", False),
                     ("use_tc_tiling_on_sc", False)):
        if fld in pltpu.CompilerParams.__dataclass_fields__:
            cp = dataclasses.replace(cp, **{fld: val})
    f = pl.kernel(
        _s2_body,
        mesh=mesh,
        compiler_params=cp,
        out_type=(
            jax.ShapeDtypeStruct((NSC, NPT, FH), jnp.float32),
            jax.ShapeDtypeStruct((NPT, DE), jnp.float32),
        ),
        scratch_types=[
            pltpu.VMEM((CH,), jnp.int32),
            pltpu.VMEM((CH,), jnp.int32),
            pltpu.VMEM((CH,), jnp.int32),
            pltpu.VMEM((CH,), jnp.int32),
            pltpu.VMEM((CHT,), jnp.int32),
            pltpu.VMEM((CHT,), jnp.int32),
            pltpu.VMEM((CHT,), jnp.int32),
            pltpu.VMEM((CHT,), jnp.int32),
            pltpu.VMEM((CH, FH), jnp.float32),
            pltpu.VMEM((CH, DE), jnp.float32),
            pltpu.VMEM((CHT, FH), jnp.float32),
            pltpu.VMEM((CHT, DE), jnp.float32),
            pltpu.VMEM((NP,), jnp.int32),
            pltpu.VMEM((ZR, FH), jnp.float32),
            pltpu.VMEM((ZR, DE), jnp.float32),
            pltpu.VMEM_SHARED((NPT, FH), jnp.float32),
            pltpu.VMEM_SHARED((NPT, DE), jnp.float32),
            pltpu.SemaphoreType.DMA,
        ],
    )
    return f(src, dst, edge_attr, nin_flat, xsplit)


def _s3_body(h_ref, gy_ref, ga_ref, nin_ref, mem_ref,
             b1_ref, we_ref, lw_ref, lb_ref, o_ref):
    gyb = jnp.concatenate([gy_ref[0], gy_ref[1]], axis=1)
    gab = ga_ref[...]
    web = we_ref[...]
    agge = gab[:, 0:1] * web[0:1, :]
    for k in range(1, DE):
        agge = agge + gab[:, k:k + 1] * web[k:k + 1, :]
    wt = jnp.maximum((h_ref[...] + b1_ref[...]) + (gyb + agge), 0.0)
    wtb = wt.astype(jnp.bfloat16).astype(jnp.float32)
    wv = jnp.maximum(
        jnp.dot(wtb, lw_ref[...], preferred_element_type=jnp.float32)
        + lb_ref[...], 0.0)
    memb = (nin_ref[...] + mem_ref[...]) > 0
    o_ref[...] = (memb & (wv > THRESHOLD)).astype(jnp.int32)


def _stage3(h, gy2, ga2, nin_col, mem_col, b1, We, lin_w, lin_b,
            interpret=False):
    BN = 1024
    g = NP // BN
    return pl.pallas_call(
        _s3_body,
        grid=(g,),
        in_specs=[
            pl.BlockSpec((BN, D), lambda i: (i, 0)),
            pl.BlockSpec((NSC, BN, FH), lambda i: (0, i, 0)),
            pl.BlockSpec((BN, DE), lambda i: (i, 0)),
            pl.BlockSpec((BN, 1), lambda i: (i, 0)),
            pl.BlockSpec((BN, 1), lambda i: (i, 0)),
            pl.BlockSpec((1, D), lambda i: (0, 0)),
            pl.BlockSpec((DE, D), lambda i: (0, 0)),
            pl.BlockSpec((D, 1), lambda i: (0, 0)),
            pl.BlockSpec((1, 1), lambda i: (0, 0)),
        ],
        out_specs=pl.BlockSpec((BN, 1), lambda i: (i, 0)),
        out_shape=jax.ShapeDtypeStruct((NP, 1), jnp.int32),
        interpret=interpret,
    )(h, gy2, ga2, nin_col, mem_col, b1, We, lin_w, lin_b)


def _b16(a):
    return a.astype(jnp.bfloat16).astype(jnp.float32)


def kernel(x, edge_index, edge_attr, mask, center, mask_idx,
           W1, b1, W2, We, lin_w, lin_b):
    xp = jnp.pad(x, ((0, NP - N), (0, 0)))
    xt = xp.T
    nin2d, qany3d, Y, H = _stage1(xt, center, xp, W1, W2)
    nin_flat = nin2d.reshape(NP)
    src = edge_index[0].astype(jnp.int32)
    dst = edge_index[1].astype(jnp.int32)
    ysplit = jnp.concatenate([Y[:N, :FH], Y[:N, FH:]], axis=0)
    gy2, ga2 = _stage2(src, dst, _b16(edge_attr), nin_flat, ysplit)
    mem_extra = jnp.pad(qany3d.reshape(Q), (0, NP - Q))
    out_col = _stage3(H, gy2, ga2, nin_flat[:, None],
                      mem_extra[:, None], b1.reshape(1, D),
                      _b16(We), _b16(lin_w), lin_b.reshape(1, 1))
    return out_col[:N, 0].astype(bool)

# --- scband reference (transcript-rebuilt; emitter-appended) ---
"""Pipeline reference for scband-radius-attention-weights-62852551410246 (READ-ONLY COPY).

The authoritative reference and input builder live on the scoring server;
editing this copy changes nothing except your own understanding.
"""

import jax, jax.numpy as jnp
import numpy as np

N = 10000
E = 320000
D = 128
DE = 16
Q = 512
K_MASK = 4
MAX_NBR = 64
RADIUS = 20.0
THRESHOLD = 0.1


def setup_inputs(seed: int = 0) -> dict:
    key = jax.random.key(seed)
    ks = jax.random.split(key, 12)
    x = jax.random.normal(ks[0], (N, D), dtype=jnp.float32)
    edge_index = jax.random.randint(ks[1], (2, E), 0, N)
    edge_attr = jax.random.normal(ks[2], (E, DE), dtype=jnp.float32)
    mask = jax.random.uniform(ks[3], (N, K_MASK), dtype=jnp.float32)
    center = jax.random.normal(ks[4], (Q, D), dtype=jnp.float32)
    # weighting_module (simple SAGE-like layer) parameters
    W1 = jax.random.normal(ks[5], (D, D), dtype=jnp.float32) * 0.05
    b1 = jnp.zeros((D,), dtype=jnp.float32)
    W2 = jax.random.normal(ks[6], (D, D), dtype=jnp.float32) * 0.05
    We = jax.random.normal(ks[7], (DE, D), dtype=jnp.float32) * 0.05
    # _mask_linear parameters
    lin_w = jax.random.normal(ks[8], (D, 1), dtype=jnp.float32) * 0.05
    lin_b = jnp.zeros((1,), dtype=jnp.float32)
    return {"x": x, "edge_index": edge_index, "edge_attr": edge_attr, "mask": mask,
            "center": center, "mask_idx": 0, "W1": W1, "b1": b1, "W2": W2,
            "We": We, "lin_w": lin_w, "lin_b": lin_b}


def reference(x, edge_index, edge_attr, mask, center, mask_idx, W1, b1, W2, We, lin_w, lin_b):
    n = x.shape[0]
    q = center.shape[0]
    # --- radius(x=k_data.x, y=center, r, max_num_neighbors) via brute-force dist + top_k ---
    x2 = jnp.sum(x * x, axis=1)
    c2 = jnp.sum(center * center, axis=1)
    d2 = c2[:, None] + x2[None, :] - 2.0 * (center @ x.T)  # [Q, N]
    neg_vals, idx = jax.lax.top_k(-d2, MAX_NBR)            # nearest MAX_NBR per center
    valid = neg_vals >= -(RADIUS * RADIUS)                 # within radius
    col = jnp.where(valid, idx, n)                         # node indices (sentinel n = drop)
    row = jnp.where(valid, jnp.broadcast_to(jnp.arange(q)[:, None], idx.shape), n)
    # --- new_mask_idx = isin(arange(N), unique(stack([row, col]))) ---
    membership = jnp.zeros((n,), dtype=bool)
    membership = membership.at[col.ravel()].set(True, mode='drop')
    membership = membership.at[row.ravel()].set(True, mode='drop')
    # --- subgraph(col, edge_index, edge_attr): keep edges with both endpoints in col ---
    node_in = jnp.zeros((n,), dtype=bool).at[col.ravel()].set(True, mode='drop')
    src = edge_index[0]
    dst = edge_index[1]
    edge_valid = (node_in[src] & node_in[dst]).astype(x.dtype)
    # --- weighting_module(x, edge_index=sub_ei, edge_attr=sub_ea): SAGE-like layer ---
    msg = (x[src] @ W2 + edge_attr @ We) * edge_valid[:, None]
    agg = jax.ops.segment_sum(msg, dst, num_segments=n)
    weighting = jax.nn.relu(x @ W1 + b1 + agg)
    # --- w = relu(mask_linear(weighting)).squeeze(-1) ---
    w = jax.nn.relu(weighting @ lin_w + lin_b)[:, 0]
    # --- logical_and(new_mask_idx, w > threshold) ---
    new_mask = jnp.logical_and(membership, w > THRESHOLD)
    return new_mask

if __name__ == "__main__":
    import jax
    _d = setup_inputs()
    print(jax.jit(kernel)(*tuple(_d.values())))

</pallas_src>

<mosaic_0001>
#map = affine_map<(d0, d1) -> (0)>
#map1 = affine_map<(d0, d1) -> (0, 0)>
#map2 = affine_map<(d0, d1) -> (0, 0, 0)>
module attributes {stable_mosaic.version = 14 : i64} {
  func.func @_s2_body(%arg0: i32, %arg1: i32, %arg2: memref<320000xi32, #tpu.memory_space<hbm>>, %arg3: memref<320000xi32, #tpu.memory_space<hbm>>, %arg4: memref<320000x16xf32, #tpu.memory_space<hbm>>, %arg5: memref<10240xi32, #tpu.memory_space<hbm>>, %arg6: memref<20000x64xf32, #tpu.memory_space<hbm>>, %arg7: memref<2x10368x64xf32, #tpu.memory_space<hbm>>, %arg8: memref<10368x16xf32, #tpu.memory_space<hbm>>, %arg9: memref<128xi32, #tpu.memory_space<vmem>>, %arg10: memref<128xi32, #tpu.memory_space<vmem>>, %arg11: memref<128xi32, #tpu.memory_space<vmem>>, %arg12: memref<128xi32, #tpu.memory_space<vmem>>, %arg13: memref<32xi32, #tpu.memory_space<vmem>>, %arg14: memref<32xi32, #tpu.memory_space<vmem>>, %arg15: memref<32xi32, #tpu.memory_space<vmem>>, %arg16: memref<32xi32, #tpu.memory_space<vmem>>, %arg17: memref<128x64xf32, #tpu.memory_space<vmem>>, %arg18: memref<128x16xf32, #tpu.memory_space<vmem>>, %arg19: memref<32x64xf32, #tpu.memory_space<vmem>>, %arg20: memref<32x16xf32, #tpu.memory_space<vmem>>, %arg21: memref<10240xi32, #tpu.memory_space<vmem>>, %arg22: memref<72x64xf32, #tpu.memory_space<vmem>>, %arg23: memref<72x16xf32, #tpu.memory_space<vmem>>, %arg24: memref<10368x64xf32, #tpu.memory_space<vmem_shared>>, %arg25: memref<10368x16xf32, #tpu.memory_space<vmem_shared>>, %arg26: memref<!tpu.dma_semaphore, #tpu.memory_space<semaphore_mem>>) attributes {dimension_semantics = [#tpu.dimension_semantics<core_parallel>, #tpu.dimension_semantics<subcore_parallel>], iteration_bounds = array<i64: 2, 16>, scalar_prefetch = 0 : i64, scratch_operands = 18 : i64, tpu.core_type = #tpu.core_type<sc_vector_subcore>, window_params = [{transform_indices = #map}, {transform_indices = #map}, {transform_indices = #map1}, {transform_indices = #map}, {transform_indices = #map1}, {transform_indices = #map2}, {transform_indices = #map1}]} {
    %mul3A = arith.constant 20000 : i32
    %mul3A_0 = arith.muli %arg1, %mul3A : i32
    "tpu.region"() ({
      %run_scoped3A = tpu.sem_alloc : memref<!tpu.dma_semaphore, #tpu.memory_space<semaphore_mem>>
      tpu.enqueue_dma source(%arg5 : memref<10240xi32, #tpu.memory_space<hbm>>) target(%arg21 : memref<10240xi32, #tpu.memory_space<vmem>>) target_semaphore(%run_scoped3A : memref<!tpu.dma_semaphore, #tpu.memory_space<semaphore_mem>>)
      tpu.wait_dma2 semaphore(%run_scoped3A : memref<!tpu.dma_semaphore, #tpu.memory_space<semaphore_mem>>) src(%arg5 : memref<10240xi32, #tpu.memory_space<hbm>>) dst(%arg21 : memref<10240xi32, #tpu.memory_space<vmem>>)
      tpu.yield
    }) : () -> ()
    %scan3A = arith.constant 0 : i32
    %scan3A_1 = arith.constant 72 : i32
    %scan3A_2 = arith.addi %scan3A, %scan3A_1 : i32
    %scan3A_3 = arith.constant 1 : i32
    scf.for %scan3A_35 = %scan3A to %scan3A_2 step %scan3A_3  : i32 {
      %mul3A_36 = arith.constant 1 : i32
      %mul3A_37 = arith.muli %scan3A_35, %mul3A_36 : i32
      %add3A_38 = arith.constant 0 : i32
      %add3A_39 = arith.addi %add3A_38, %mul3A_37 : i32
      %broadcast_in_dim3A = arith.constant 0.000000e+00 : f32
      %broadcast_in_dim3A_40 = vector.broadcast %broadcast_in_dim3A : f32 to vector<16xf32>
      %swap3A = arith.index_cast %add3A_39 : i32 to index
      %swap3A_41 = arith.constant 0 : index
      %swap3A_42 = tpu.vector_load %arg23[%swap3A, %swap3A_41] {strides = array<i32>} : memref<72x16xf32, #tpu.memory_space<vmem>>, vector<16xf32>,
      tpu.vector_store %arg23[%swap3A, %swap3A_41], %broadcast_in_dim3A_40 {strides = array<i32>} : memref<72x16xf32, #tpu.memory_space<vmem>>, vector<16xf32>,
      %scan3A_43 = arith.constant 0 : i32
      %scan3A_44 = arith.constant 4 : i32
      %scan3A_45 = arith.addi %scan3A_43, %scan3A_44 : i32
      %scan3A_46 = arith.constant 1 : i32
      scf.for %scan3A_48 = %scan3A_43 to %scan3A_45 step %scan3A_46  : i32 {
        %mul3A_49 = arith.constant 16 : i32
        %mul3A_50 = arith.muli %scan3A_48, %mul3A_49 : i32
        %add3A_51 = arith.constant 0 : i32
        %add3A_52 = arith.addi %add3A_51, %mul3A_50 : i32
        %broadcast_in_dim3A_53 = arith.constant 0.000000e+00 : f32
        %broadcast_in_dim3A_54 = vector.broadcast %broadcast_in_dim3A_53 : f32 to vector<16xf32>
        %swap3A_55 = arith.index_cast %add3A_39 : i32 to index
        %swap3A_56 = arith.index_cast %add3A_52 : i32 to index
        %swap3A_57 = tpu.vector_load %arg22[%swap3A_55, %swap3A_56] {strides = array<i32>} : memref<72x64xf32, #tpu.memory_space<vmem>>, vector<16xf32>,
        tpu.vector_store %arg22[%swap3A_55, %swap3A_56], %broadcast_in_dim3A_54 {strides = array<i32>} : memref<72x64xf32, #tpu.memory_space<vmem>>, vector<16xf32>,
      }
      %scan3A_47 = arith.constant 4 : i32
    }
    %scan3A_4 = arith.constant 72 : i32
    %mul3A_5 = arith.constant 648 : i32
    %mul3A_6 = arith.muli %arg1, %mul3A_5 : i32
    %scan3A_7 = arith.constant 0 : i32
    %scan3A_8 = arith.constant 9 : i32
    %scan3A_9 = arith.addi %scan3A_7, %scan3A_8 : i32
    %scan3A_10 = arith.constant 1 : i32
    scf.for %scan3A_35 = %scan3A_7 to %scan3A_9 step %scan3A_10  : i32 {
      %mul3A_36 = arith.constant 72 : i32
      %mul3A_37 = arith.muli %scan3A_35, %mul3A_36 : i32
      %add3A_38 = arith.constant 0 : i32
      %add3A_39 = arith.addi %add3A_38, %mul3A_37 : i32
      %add3A_40 = arith.addi %mul3A_6, %add3A_39 : i32
      "tpu.region"() ({
        %run_scoped3A = tpu.sem_alloc : memref<!tpu.dma_semaphore, #tpu.memory_space<semaphore_mem>>
        %dma_start3A_42 = arith.constant 0 : i32
        %dma_start3A_43 = tpu.memref_slice %arg24[%add3A_40, %dma_start3A_42] : memref<10368x64xf32, #tpu.memory_space<vmem_shared>> -> memref<72x64xf32, #tpu.memory_space<vmem_shared>>
        %dma_start3A_44 = arith.constant 0 : i32
        %dma_start3A_45 = tpu.memref_slice %arg24[%add3A_40, %dma_start3A_44] : memref<10368x64xf32, #tpu.memory_space<vmem_shared>> -> memref<72x64xf32, #tpu.memory_space<vmem_shared>>
        tpu.enqueue_dma source(%arg22 : memref<72x64xf32, #tpu.memory_space<vmem>>) target(%dma_start3A_45 : memref<72x64xf32, #tpu.memory_space<vmem_shared>>) target_semaphore(%run_scoped3A : memref<!tpu.dma_semaphore, #tpu.memory_space<semaphore_mem>>)
        %dma_wait3A_46 = arith.constant 0 : i32
        %dma_wait3A_47 = tpu.memref_slice %arg24[%add3A_40, %dma_wait3A_46] : memref<10368x64xf32, #tpu.memory_space<vmem_shared>> -> memref<72x64xf32, #tpu.memory_space<vmem_shared>>
        %dma_wait3A_48 = arith.constant 0 : i32
        %dma_wait3A_49 = tpu.memref_slice %arg24[%add3A_40, %dma_wait3A_48] : memref<10368x64xf32, #tpu.memory_space<vmem_shared>> -> memref<72x64xf32, #tpu.memory_space<vmem_shared>>
        tpu.wait_dma2 semaphore(%run_scoped3A : memref<!tpu.dma_semaphore, #tpu.memory_space<semaphore_mem>>) src(%arg22 : memref<72x64xf32, #tpu.memory_space<vmem>>) dst(%dma_wait3A_49 : memref<72x64xf32, #tpu.memory_space<vmem_shared>>)
        tpu.yield
      }) : () -> ()
      %add3A_41 = arith.addi %mul3A_6, %add3A_39 : i32
      "tpu.region"() ({
        %run_scoped3A = tpu.sem_alloc : memref<!tpu.dma_semaphore, #tpu.memory_space<semaphore_mem>>
        %dma_start3A_42 = arith.constant 0 : i32
        %dma_start3A_43 = tpu.memref_slice %arg25[%add3A_41, %dma_start3A_42] : memref<10368x16xf32, #tpu.memory_space<vmem_shared>> -> memref<72x16xf32, #tpu.memory_space<vmem_shared>>
        %dma_start3A_44 = arith.constant 0 : i32
        %dma_start3A_45 = tpu.memref_slice %arg25[%add3A_41, %dma_start3A_44] : memref<10368x16xf32, #tpu.memory_space<vmem_shared>> -> memref<72x16xf32, #tpu.memory_space<vmem_shared>>
        tpu.enqueue_dma source(%arg23 : memref<72x16xf32, #tpu.memory_space<vmem>>) target(%dma_start3A_45 : memref<72x16xf32, #tpu.memory_space<vmem_shared>>) target_semaphore(%run_scoped3A : memref<!tpu.dma_semaphore, #tpu.memory_space<semaphore_mem>>)
        %dma_wait3A_46 = arith.constant 0 : i32
        %dma_wait3A_47 = tpu.memref_slice %arg25[%add3A_41, %dma_wait3A_46] : memref<10368x16xf32, #tpu.memory_space<vmem_shared>> -> memref<72x16xf32, #tpu.memory_space<vmem_shared>>
        %dma_wait3A_48 = arith.constant 0 : i32
        %dma_wait3A_49 = tpu.memref_slice %arg25[%add3A_41, %dma_wait3A_48] : memref<10368x16xf32, #tpu.memory_space<vmem_shared>> -> memref<72x16xf32, #tpu.memory_space<vmem_shared>>
        tpu.wait_dma2 semaphore(%run_scoped3A : memref<!tpu.dma_semaphore, #tpu.memory_space<semaphore_mem>>) src(%arg23 : memref<72x16xf32, #tpu.memory_space<vmem>>) dst(%dma_wait3A_49 : memref<72x16xf32, #tpu.memory_space<vmem_shared>>)
        tpu.yield
      }) : () -> ()
    }
    %scan3A_11 = arith.constant 9 : i32
    %barrier3A = arith.constant 0 : index
    tpu.barrier barrier_id(%barrier3A)
    %scan3A_12 = arith.constant 0 : i32
    %scan3A_13 = arith.constant 156 : i32
    %scan3A_14 = arith.addi %scan3A_12, %scan3A_13 : i32
    %scan3A_15 = arith.constant 1 : i32
    scf.for %scan3A_35 = %scan3A_12 to %scan3A_14 step %scan3A_15  : i32 {
      %mul3A_36 = arith.constant 1 : i32
      %mul3A_37 = arith.muli %scan3A_35, %mul3A_36 : i32
      %add3A_38 = arith.constant 0 : i32
      %add3A_39 = arith.addi %add3A_38, %mul3A_37 : i32
      %mul3A_40 = arith.constant 128 : i32
      %mul3A_41 = arith.muli %add3A_39, %mul3A_40 : i32
      %add3A_42 = arith.addi %mul3A_0, %mul3A_41 : i32
      "tpu.region"() ({
        %run_scoped3A = tpu.sem_alloc : memref<!tpu.dma_semaphore, #tpu.memory_space<semaphore_mem>>
        %dma_start3A_59 = tpu.memref_slice %arg2[%add3A_42] : memref<320000xi32, #tpu.memory_space<hbm>> -> memref<128xi32, #tpu.memory_space<hbm>>
        %dma_start3A_60 = tpu.memref_slice %arg2[%add3A_42] : memref<320000xi32, #tpu.memory_space<hbm>> -> memref<128xi32, #tpu.memory_space<hbm>>
        tpu.enqueue_dma source(%dma_start3A_60 : memref<128xi32, #tpu.memory_space<hbm>>) target(%arg9 : memref<128xi32, #tpu.memory_space<vmem>>) target_semaphore(%run_scoped3A : memref<!tpu.dma_semaphore, #tpu.memory_space<semaphore_mem>>)
        %dma_wait3A_61 = tpu.memref_slice %arg2[%add3A_42] : memref<320000xi32, #tpu.memory_space<hbm>> -> memref<128xi32, #tpu.memory_space<hbm>>
        %dma_wait3A_62 = tpu.memref_slice %arg2[%add3A_42] : memref<320000xi32, #tpu.memory_space<hbm>> -> memref<128xi32, #tpu.memory_space<hbm>>
        tpu.wait_dma2 semaphore(%run_scoped3A : memref<!tpu.dma_semaphore, #tpu.memory_space<semaphore_mem>>) src(%dma_wait3A_62 : memref<128xi32, #tpu.memory_space<hbm>>) dst(%arg9 : memref<128xi32, #tpu.memory_space<vmem>>)
        tpu.yield
      }) : () -> ()
      "tpu.region"() ({
        %run_scoped3A = tpu.sem_alloc : memref<!tpu.dma_semaphore, #tpu.memory_space<semaphore_mem>>
        %dma_start3A_59 = tpu.memref_slice %arg3[%add3A_42] : memref<320000xi32, #tpu.memory_space<hbm>> -> memref<128xi32, #tpu.memory_space<hbm>>
        %dma_start3A_60 = tpu.memref_slice %arg3[%add3A_42] : memref<320000xi32, #tpu.memory_space<hbm>> -> memref<128xi32, #tpu.memory_space<hbm>>
        tpu.enqueue_dma source(%dma_start3A_60 : memref<128xi32, #tpu.memory_space<hbm>>) target(%arg10 : memref<128xi32, #tpu.memory_space<vmem>>) target_semaphore(%run_scoped3A : memref<!tpu.dma_semaphore, #tpu.memory_space<semaphore_mem>>)
        %dma_wait3A_61 = tpu.memref_slice %arg3[%add3A_42] : memref<320000xi32, #tpu.memory_space<hbm>> -> memref<128xi32, #tpu.memory_space<hbm>>
        %dma_wait3A_62 = tpu.memref_slice %arg3[%add3A_42] : memref<320000xi32, #tpu.memory_space<hbm>> -> memref<128xi32, #tpu.memory_space<hbm>>
        tpu.wait_dma2 semaphore(%run_scoped3A : memref<!tpu.dma_semaphore, #tpu.memory_space<semaphore_mem>>) src(%dma_wait3A_62 : memref<128xi32, #tpu.memory_space<hbm>>) dst(%arg10 : memref<128xi32, #tpu.memory_space<vmem>>)
        tpu.yield
      }) : () -> ()
      %scan3A_43 = arith.constant 0 : i32
      %scan3A_44 = arith.constant 8 : i32
      %scan3A_45 = arith.addi %scan3A_43, %scan3A_44 : i32
      %scan3A_46 = arith.constant 1 : i32
      scf.for %scan3A_59 = %scan3A_43 to %scan3A_45 step %scan3A_46  : i32 {
        %mul3A_60 = arith.constant 16 : i32
        %mul3A_61 = arith.muli %scan3A_59, %mul3A_60 : i32
        %add3A_62 = arith.constant 0 : i32
        %add3A_63 = arith.addi %add3A_62, %mul3A_61 : i32
        %get3A = arith.index_cast %add3A_63 : i32 to index
        %get3A_64 = tpu.vector_load %arg9[%get3A] {strides = array<i32>} : memref<128xi32, #tpu.memory_space<vmem>>, vector<16xi32>,
        %get3A_65 = arith.index_cast %add3A_63 : i32 to index
        %get3A_66 = tpu.vector_load %arg10[%get3A_65] {strides = array<i32>} : memref<128xi32, #tpu.memory_space<vmem>>, vector<16xi32>,
        %gather3A = tpu.vector_load_idx %arg21[%get3A_64] : memref<10240xi32, #tpu.memory_space<vmem>>[vector<16xi32>], vector<16xi32>,
        %gather3A_67 = tpu.vector_load_idx %arg21[%get3A_66] : memref<10240xi32, #tpu.memory_space<vmem>>[vector<16xi32>], vector<16xi32>,
        %gt3A = arith.constant 0 : i32
        %gt3A_68 = vector.broadcast %gt3A : i32 to vector<16xi32>
        %gt3A_69 = arith.cmpi sgt, %gather3A, %gt3A_68 : vector<16xi32>
        %gt3A_70 = arith.constant 0 : i32
        %gt3A_71 = vector.broadcast %gt3A_70 : i32 to vector<16xi32>
        %gt3A_72 = arith.cmpi sgt, %gather3A_67, %gt3A_71 : vector<16xi32>
        %and3A = arith.andi %gt3A_69, %gt3A_72 : vector<16xi1>
        %mul3A_73 = arith.constant 10000 : i32
        %mul3A_74 = arith.muli %arg0, %mul3A_73 : i32
        %add3A_75 = vector.broadcast %mul3A_74 : i32 to vector<16xi32>
        %add3A_76 = arith.addi %get3A_64, %add3A_75 : vector<16xi32>
        %swap3A = arith.index_cast %add3A_63 : i32 to index
        %swap3A_77 = tpu.vector_load %arg12[%swap3A] {strides = array<i32>} : memref<128xi32, #tpu.memory_space<vmem>>, vector<16xi32>,
        tpu.vector_store %arg12[%swap3A], %add3A_76 {strides = array<i32>} : memref<128xi32, #tpu.memory_space<vmem>>, vector<16xi32>,
        %iota3A = tpu.iota {dimensions = array<i32: 0>} : vector<16xi32>
        %add3A_78 = arith.constant 10240 : i32
        %add3A_79 = vector.broadcast %add3A_78 : i32 to vector<16xi32>
        %add3A_80 = arith.addi %add3A_79, %iota3A : vector<16xi32>
        %add3A_81 = vector.broadcast %add3A_63 : i32 to vector<16xi32>
        %add3A_82 = arith.addi %add3A_80, %add3A_81 : vector<16xi32>
        %select_n3A = arith.select %and3A, %get3A_66, %add3A_82 : vector<16xi1>, vector<16xi32>
        %swap3A_83 = arith.index_cast %add3A_63 : i32 to index
        %swap3A_84 = tpu.vector_load %arg11[%swap3A_83] {strides = array<i32>} : memref<128xi32, #tpu.memory_space<vmem>>, vector<16xi32>,
        tpu.vector_store %arg11[%swap3A_83], %select_n3A {strides = array<i32>} : memref<128xi32, #tpu.memory_space<vmem>>, vector<16xi32>,
      }
      %scan3A_47 = arith.constant 8 : i32
      %dma_start3A_48 = arith.constant 0 : i32
      %dma_start3A_49 = arith.constant 0 : i32
      %dma_start3A_50 = tpu.memref_slice %arg6[%dma_start3A_48, %dma_start3A_49] : memref<20000x64xf32, #tpu.memory_space<hbm>> -> memref<20000x64xf32, #tpu.memory_space<hbm>>
      tpu.enqueue_indirect_dma source(%dma_start3A_50 : memref<20000x64xf32, #tpu.memory_space<hbm>>) target(%arg17 : memref<128x64xf32, #tpu.memory_space<vmem>>) offsets(%arg12 : memref<128xi32, #tpu.memory_space<vmem>>) semaphore(%arg26 : memref<!tpu.dma_semaphore, #tpu.memory_space<semaphore_mem>>)
      %eq3A_51 = arith.constant 0 : i32
      %eq3A_52 = arith.cmpi eq, %arg0, %eq3A_51 : i32
      %convert_element_type3A_53 = arith.extui %eq3A_52 : i1 to i32
      %cond3A_54 = arith.constant 0 : i32
      %cond3A_55 = arith.cmpi ne, %convert_element_type3A_53, %cond3A_54 : i32
      scf.if %cond3A_55 {
        "tpu.region"() ({
          %run_scoped3A = tpu.sem_alloc : memref<!tpu.dma_semaphore, #tpu.memory_space<semaphore_mem>>
          %dma_start3A_59 = arith.constant 0 : i32
          %dma_start3A_60 = tpu.memref_slice %arg4[%add3A_42, %dma_start3A_59] : memref<320000x16xf32, #tpu.memory_space<hbm>> -> memref<128x16xf32, #tpu.memory_space<hbm>>
          %dma_start3A_61 = arith.constant 0 : i32
          %dma_start3A_62 = tpu.memref_slice %arg4[%add3A_42, %dma_start3A_61] : memref<320000x16xf32, #tpu.memory_space<hbm>> -> memref<128x16xf32, #tpu.memory_space<hbm>>
          tpu.enqueue_dma source(%dma_start3A_62 : memref<128x16xf32, #tpu.memory_space<hbm>>) target(%arg18 : memref<128x16xf32, #tpu.memory_space<vmem>>) target_semaphore(%run_scoped3A : memref<!tpu.dma_semaphore, #tpu.memory_space<semaphore_mem>>)
          %dma_wait3A_63 = arith.constant 0 : i32
          %dma_wait3A_64 = tpu.memref_slice %arg4[%add3A_42, %dma_wait3A_63] : memref<320000x16xf32, #tpu.memory_space<hbm>> -> memref<128x16xf32, #tpu.memory_space<hbm>>
          %dma_wait3A_65 = arith.constant 0 : i32
          %dma_wait3A_66 = tpu.memref_slice %arg4[%add3A_42, %dma_wait3A_65] : memref<320000x16xf32, #tpu.memory_space<hbm>> -> memref<128x16xf32, #tpu.memory_space<hbm>>
          tpu.wait_dma2 semaphore(%run_scoped3A : memref<!tpu.dma_semaphore, #tpu.memory_space<semaphore_mem>>) src(%dma_wait3A_66 : memref<128x16xf32, #tpu.memory_space<hbm>>) dst(%arg18 : memref<128x16xf32, #tpu.memory_space<vmem>>)
          tpu.yield
        }) : () -> ()
        "tpu.region"() ({
          %run_scoped3A = tpu.sem_alloc : memref<!tpu.dma_semaphore, #tpu.memory_space<semaphore_mem>>
          %dma_start3A_59 = arith.constant 0 : i32
          %dma_start3A_60 = arith.constant 0 : i32
          %dma_start3A_61 = tpu.memref_slice %arg25[%dma_start3A_59, %dma_start3A_60] : memref<10368x16xf32, #tpu.memory_space<vmem_shared>> -> memref<10368x16xf32, #tpu.memory_space<vmem_shared>>
          tpu.enqueue_indirect_dma source(%arg18 : memref<128x16xf32, #tpu.memory_space<vmem>>) target(%dma_start3A_61 : memref<10368x16xf32, #tpu.memory_space<vmem_shared>>) offsets(%arg11 : memref<128xi32, #tpu.memory_space<vmem>>) semaphore(%run_scoped3A : memref<!tpu.dma_semaphore, #tpu.memory_space<semaphore_mem>>) {add = true}
          %dma_wait3A_62 = arith.constant 0 : i32
          %dma_wait3A_63 = arith.constant 0 : i32
          %dma_wait3A_64 = tpu.memref_slice %arg25[%dma_wait3A_62, %dma_wait3A_63] : memref<10368x16xf32, #tpu.memory_space<vmem_shared>> -> memref<10368x16xf32, #tpu.memory_space<vmem_shared>>
          tpu.wait_indirect_dma semaphore(%run_scoped3A : memref<!tpu.dma_semaphore, #tpu.memory_space<semaphore_mem>>) src(%arg18 : memref<128x16xf32, #tpu.memory_space<vmem>>) dst(%dma_wait3A_64 : memref<10368x16xf32, #tpu.memory_space<vmem_shared>>)
          tpu.yield
        }) : () -> ()
      } else {
      }
      %dma_wait3A_56 = arith.constant 0 : i32
      %dma_wait3A_57 = arith.constant 0 : i32
      %dma_wait3A_58 = tpu.memref_slice %arg6[%dma_wait3A_56, %dma_wait3A_57] : memref<20000x64xf32, #tpu.memory_space<hbm>> -> memref<20000x64xf32, #tpu.memory_space<hbm>>
      tpu.wait_indirect_dma semaphore(%arg26 : memref<!tpu.dma_semaphore, #tpu.memory_space<semaphore_mem>>) src(%dma_wait3A_58 : memref<20000x64xf32, #tpu.memory_space<hbm>>) dst(%arg17 : memref<128x64xf32, #tpu.memory_space<vmem>>)
      "tpu.region"() ({
        %run_scoped3A = tpu.sem_alloc : memref<!tpu.dma_semaphore, #tpu.memory_space<semaphore_mem>>
        %dma_start3A_59 = arith.constant 0 : i32
        %dma_start3A_60 = arith.constant 0 : i32
        %dma_start3A_61 = tpu.memref_slice %arg24[%dma_start3A_59, %dma_start3A_60] : memref<10368x64xf32, #tpu.memory_space<vmem_shared>> -> memref<10368x64xf32, #tpu.memory_space<vmem_shared>>
        tpu.enqueue_indirect_dma source(%arg17 : memref<128x64xf32, #tpu.memory_space<vmem>>) target(%dma_start3A_61 : memref<10368x64xf32, #tpu.memory_space<vmem_shared>>) offsets(%arg11 : memref<128xi32, #tpu.memory_space<vmem>>) semaphore(%run_scoped3A : memref<!tpu.dma_semaphore, #tpu.memory_space<semaphore_mem>>) {add = true}
        %dma_wait3A_62 = arith.constant 0 : i32
        %dma_wait3A_63 = arith.constant 0 : i32
        %dma_wait3A_64 = tpu.memref_slice %arg24[%dma_wait3A_62, %dma_wait3A_63] : memref<10368x64xf32, #tpu.memory_space<vmem_shared>> -> memref<10368x64xf32, #tpu.memory_space<vmem_shared>>
        tpu.wait_indirect_dma semaphore(%run_scoped3A : memref<!tpu.dma_semaphore, #tpu.memory_space<semaphore_mem>>) src(%arg17 : memref<128x64xf32, #tpu.memory_space<vmem>>) dst(%dma_wait3A_64 : memref<10368x64xf32, #tpu.memory_space<vmem_shared>>)
        tpu.yield
      }) : () -> ()
    }
    %scan3A_16 = arith.constant 156 : i32
    %add3A = arith.constant 19968 : i32
    %add3A_17 = arith.addi %mul3A_0, %add3A : i32
    "tpu.region"() ({
      %run_scoped3A = tpu.sem_alloc : memref<!tpu.dma_semaphore, #tpu.memory_space<semaphore_mem>>
      %dma_start3A_35 = tpu.memref_slice %arg2[%add3A_17] : memref<320000xi32, #tpu.memory_space<hbm>> -> memref<32xi32, #tpu.memory_space<hbm>>
      %dma_start3A_36 = tpu.memref_slice %arg2[%add3A_17] : memref<320000xi32, #tpu.memory_space<hbm>> -> memref<32xi32, #tpu.memory_space<hbm>>
      tpu.enqueue_dma source(%dma_start3A_36 : memref<32xi32, #tpu.memory_space<hbm>>) target(%arg13 : memref<32xi32, #tpu.memory_space<vmem>>) target_semaphore(%run_scoped3A : memref<!tpu.dma_semaphore, #tpu.memory_space<semaphore_mem>>)
      %dma_wait3A_37 = tpu.memref_slice %arg2[%add3A_17] : memref<320000xi32, #tpu.memory_space<hbm>> -> memref<32xi32, #tpu.memory_space<hbm>>
      %dma_wait3A_38 = tpu.memref_slice %arg2[%add3A_17] : memref<320000xi32, #tpu.memory_space<hbm>> -> memref<32xi32, #tpu.memory_space<hbm>>
      tpu.wait_dma2 semaphore(%run_scoped3A : memref<!tpu.dma_semaphore, #tpu.memory_space<semaphore_mem>>) src(%dma_wait3A_38 : memref<32xi32, #tpu.memory_space<hbm>>) dst(%arg13 : memref<32xi32, #tpu.memory_space<vmem>>)
      tpu.yield
    }) : () -> ()
    "tpu.region"() ({
      %run_scoped3A = tpu.sem_alloc : memref<!tpu.dma_semaphore, #tpu.memory_space<semaphore_mem>>
      %dma_start3A_35 = tpu.memref_slice %arg3[%add3A_17] : memref<320000xi32, #tpu.memory_space<hbm>> -> memref<32xi32, #tpu.memory_space<hbm>>
      %dma_start3A_36 = tpu.memref_slice %arg3[%add3A_17] : memref<320000xi32, #tpu.memory_space<hbm>> -> memref<32xi32, #tpu.memory_space<hbm>>
      tpu.enqueue_dma source(%dma_start3A_36 : memref<32xi32, #tpu.memory_space<hbm>>) target(%arg14 : memref<32xi32, #tpu.memory_space<vmem>>) target_semaphore(%run_scoped3A : memref<!tpu.dma_semaphore, #tpu.memory_space<semaphore_mem>>)
      %dma_wait3A_37 = tpu.memref_slice %arg3[%add3A_17] : memref<320000xi32, #tpu.memory_space<hbm>> -> memref<32xi32, #tpu.memory_space<hbm>>
      %dma_wait3A_38 = tpu.memref_slice %arg3[%add3A_17] : memref<320000xi32, #tpu.memory_space<hbm>> -> memref<32xi32, #tpu.memory_space<hbm>>
      tpu.wait_dma2 semaphore(%run_scoped3A : memref<!tpu.dma_semaphore, #tpu.memory_space<semaphore_mem>>) src(%dma_wait3A_38 : memref<32xi32, #tpu.memory_space<hbm>>) dst(%arg14 : memref<32xi32, #tpu.memory_space<vmem>>)
      tpu.yield
    }) : () -> ()
    %scan3A_18 = arith.constant 0 : i32
    %scan3A_19 = arith.constant 2 : i32
    %scan3A_20 = arith.addi %scan3A_18, %scan3A_19 : i32
    %scan3A_21 = arith.constant 1 : i32
    scf.for %scan3A_35 = %scan3A_18 to %scan3A_20 step %scan3A_21  : i32 {
      %mul3A_36 = arith.constant 16 : i32
      %mul3A_37 = arith.muli %scan3A_35, %mul3A_36 : i32
      %add3A_38 = arith.constant 0 : i32
      %add3A_39 = arith.addi %add3A_38, %mul3A_37 : i32
      %get3A = arith.index_cast %add3A_39 : i32 to index
      %get3A_40 = tpu.vector_load %arg13[%get3A] {strides = array<i32>} : memref<32xi32, #tpu.memory_space<vmem>>, vector<16xi32>,
      %get3A_41 = arith.index_cast %add3A_39 : i32 to index
      %get3A_42 = tpu.vector_load %arg14[%get3A_41] {strides = array<i32>} : memref<32xi32, #tpu.memory_space<vmem>>, vector<16xi32>,
      %gather3A = tpu.vector_load_idx %arg21[%get3A_40] : memref<10240xi32, #tpu.memory_space<vmem>>[vector<16xi32>], vector<16xi32>,
      %gather3A_43 = tpu.vector_load_idx %arg21[%get3A_42] : memref<10240xi32, #tpu.memory_space<vmem>>[vector<16xi32>], vector<16xi32>,
      %gt3A = arith.constant 0 : i32
      %gt3A_44 = vector.broadcast %gt3A : i32 to vector<16xi32>
      %gt3A_45 = arith.cmpi sgt, %gather3A, %gt3A_44 : vector<16xi32>
      %gt3A_46 = arith.constant 0 : i32
      %gt3A_47 = vector.broadcast %gt3A_46 : i32 to vector<16xi32>
      %gt3A_48 = arith.cmpi sgt, %gather3A_43, %gt3A_47 : vector<16xi32>
      %and3A = arith.andi %gt3A_45, %gt3A_48 : vector<16xi1>
      %mul3A_49 = arith.constant 10000 : i32
      %mul3A_50 = arith.muli %arg0, %mul3A_49 : i32
      %add3A_51 = vector.broadcast %mul3A_50 : i32 to vector<16xi32>
      %add3A_52 = arith.addi %get3A_40, %add3A_51 : vector<16xi32>
      %swap3A = arith.index_cast %add3A_39 : i32 to index
      %swap3A_53 = tpu.vector_load %arg16[%swap3A] {strides = array<i32>} : memref<32xi32, #tpu.memory_space<vmem>>, vector<16xi32>,
      tpu.vector_store %arg16[%swap3A], %add3A_52 {strides = array<i32>} : memref<32xi32, #tpu.memory_space<vmem>>, vector<16xi32>,
      %iota3A = tpu.iota {dimensions = array<i32: 0>} : vector<16xi32>
      %add3A_54 = arith.constant 10240 : i32
      %add3A_55 = vector.broadcast %add3A_54 : i32 to vector<16xi32>
      %add3A_56 = arith.addi %add3A_55, %iota3A : vector<16xi32>
      %add3A_57 = vector.broadcast %add3A_39 : i32 to vector<16xi32>
      %add3A_58 = arith.addi %add3A_56, %add3A_57 : vector<16xi32>
      %select_n3A = arith.select %and3A, %get3A_42, %add3A_58 : vector<16xi1>, vector<16xi32>
      %swap3A_59 = arith.index_cast %add3A_39 : i32 to index
      %swap3A_60 = tpu.vector_load %arg15[%swap3A_59] {strides = array<i32>} : memref<32xi32, #tpu.memory_space<vmem>>, vector<16xi32>,
      tpu.vector_store %arg15[%swap3A_59], %select_n3A {strides = array<i32>} : memref<32xi32, #tpu.memory_space<vmem>>, vector<16xi32>,
    }
    %scan3A_22 = arith.constant 2 : i32
    %dma_start3A = arith.constant 0 : i32
    %dma_start3A_23 = arith.constant 0 : i32
    %dma_start3A_24 = tpu.memref_slice %arg6[%dma_start3A, %dma_start3A_23] : memref<20000x64xf32, #tpu.memory_space<hbm>> -> memref<20000x64xf32, #tpu.memory_space<hbm>>
    tpu.enqueue_indirect_dma source(%dma_start3A_24 : memref<20000x64xf32, #tpu.memory_space<hbm>>) target(%arg19 : memref<32x64xf32, #tpu.memory_space<vmem>>) offsets(%arg16 : memref<32xi32, #tpu.memory_space<vmem>>) semaphore(%arg26 : memref<!tpu.dma_semaphore, #tpu.memory_space<semaphore_mem>>)
    %eq3A = arith.constant 0 : i32
    %eq3A_25 = arith.cmpi eq, %arg0, %eq3A : i32
    %convert_element_type3A = arith.extui %eq3A_25 : i1 to i32
    %cond3A = arith.constant 0 : i32
    %cond3A_26 = arith.cmpi ne, %convert_element_type3A, %cond3A : i32
    scf.if %cond3A_26 {
      "tpu.region"() ({
        %run_scoped3A = tpu.sem_alloc : memref<!tpu.dma_semaphore, #tpu.memory_space<semaphore_mem>>
        %dma_start3A_35 = arith.constant 0 : i32
        %dma_start3A_36 = tpu.memref_slice %arg4[%add3A_17, %dma_start3A_35] : memref<320000x16xf32, #tpu.memory_space<hbm>> -> memref<32x16xf32, #tpu.memory_space<hbm>>
        %dma_start3A_37 = arith.constant 0 : i32
        %dma_start3A_38 = tpu.memref_slice %arg4[%add3A_17, %dma_start3A_37] : memref<320000x16xf32, #tpu.memory_space<hbm>> -> memref<32x16xf32, #tpu.memory_space<hbm>>
        tpu.enqueue_dma source(%dma_start3A_38 : memref<32x16xf32, #tpu.memory_space<hbm>>) target(%arg20 : memref<32x16xf32, #tpu.memory_space<vmem>>) target_semaphore(%run_scoped3A : memref<!tpu.dma_semaphore, #tpu.memory_space<semaphore_mem>>)
        %dma_wait3A_39 = arith.constant 0 : i32
        %dma_wait3A_40 = tpu.memref_slice %arg4[%add3A_17, %dma_wait3A_39] : memref<320000x16xf32, #tpu.memory_space<hbm>> -> memref<32x16xf32, #tpu.memory_space<hbm>>
        %dma_wait3A_41 = arith.constant 0 : i32
        %dma_wait3A_42 = tpu.memref_slice %arg4[%add3A_17, %dma_wait3A_41] : memref<320000x16xf32, #tpu.memory_space<hbm>> -> memref<32x16xf32, #tpu.memory_space<hbm>>
        tpu.wait_dma2 semaphore(%run_scoped3A : memref<!tpu.dma_semaphore, #tpu.memory_space<semaphore_mem>>) src(%dma_wait3A_42 : memref<32x16xf32, #tpu.memory_space<hbm>>) dst(%arg20 : memref<32x16xf32, #tpu.memory_space<vmem>>)
        tpu.yield
      }) : () -> ()
      "tpu.region"() ({
        %run_scoped3A = tpu.sem_alloc : memref<!tpu.dma_semaphore, #tpu.memory_space<semaphore_mem>>
        %dma_start3A_35 = arith.constant 0 : i32
        %dma_start3A_36 = arith.constant 0 : i32
        %dma_start3A_37 = tpu.memref_slice %arg25[%dma_start3A_35, %dma_start3A_36] : memref<10368x16xf32, #tpu.memory_space<vmem_shared>> -> memref<10368x16xf32, #tpu.memory_space<vmem_shared>>
        tpu.enqueue_indirect_dma source(%arg20 : memref<32x16xf32, #tpu.memory_space<vmem>>) target(%dma_start3A_37 : memref<10368x16xf32, #tpu.memory_space<vmem_shared>>) offsets(%arg15 : memref<32xi32, #tpu.memory_space<vmem>>) semaphore(%run_scoped3A : memref<!tpu.dma_semaphore, #tpu.memory_space<semaphore_mem>>) {add = true}
        %dma_wait3A_38 = arith.constant 0 : i32
        %dma_wait3A_39 = arith.constant 0 : i32
        %dma_wait3A_40 = tpu.memref_slice %arg25[%dma_wait3A_38, %dma_wait3A_39] : memref<10368x16xf32, #tpu.memory_space<vmem_shared>> -> memref<10368x16xf32, #tpu.memory_space<vmem_shared>>
        tpu.wait_indirect_dma semaphore(%run_scoped3A : memref<!tpu.dma_semaphore, #tpu.memory_space<semaphore_mem>>) src(%arg20 : memref<32x16xf32, #tpu.memory_space<vmem>>) dst(%dma_wait3A_40 : memref<10368x16xf32, #tpu.memory_space<vmem_shared>>)
        tpu.yield
      }) : () -> ()
    } else {
    }
    %dma_wait3A = arith.constant 0 : i32
    %dma_wait3A_27 = arith.constant 0 : i32
    %dma_wait3A_28 = tpu.memref_slice %arg6[%dma_wait3A, %dma_wait3A_27] : memref<20000x64xf32, #tpu.memory_space<hbm>> -> memref<20000x64xf32, #tpu.memory_space<hbm>>
    tpu.wait_indirect_dma semaphore(%arg26 : memref<!tpu.dma_semaphore, #tpu.memory_space<semaphore_mem>>) src(%dma_wait3A_28 : memref<20000x64xf32, #tpu.memory_space<hbm>>) dst(%arg19 : memref<32x64xf32, #tpu.memory_space<vmem>>)
    "tpu.region"() ({
      %run_scoped3A = tpu.sem_alloc : memref<!tpu.dma_semaphore, #tpu.memory_space<semaphore_mem>>
      %dma_start3A_35 = arith.constant 0 : i32
      %dma_start3A_36 = arith.constant 0 : i32
      %dma_start3A_37 = tpu.memref_slice %arg24[%dma_start3A_35, %dma_start3A_36] : memref<10368x64xf32, #tpu.memory_space<vmem_shared>> -> memref<10368x64xf32, #tpu.memory_space<vmem_shared>>
      tpu.enqueue_indirect_dma source(%arg19 : memref<32x64xf32, #tpu.memory_space<vmem>>) target(%dma_start3A_37 : memref<10368x64xf32, #tpu.memory_space<vmem_shared>>) offsets(%arg15 : memref<32xi32, #tpu.memory_space<vmem>>) semaphore(%run_scoped3A : memref<!tpu.dma_semaphore, #tpu.memory_space<semaphore_mem>>) {add = true}
      %dma_wait3A_38 = arith.constant 0 : i32
      %dma_wait3A_39 = arith.constant 0 : i32
      %dma_wait3A_40 = tpu.memref_slice %arg24[%dma_wait3A_38, %dma_wait3A_39] : memref<10368x64xf32, #tpu.memory_space<vmem_shared>> -> memref<10368x64xf32, #tpu.memory_space<vmem_shared>>
      tpu.wait_indirect_dma semaphore(%run_scoped3A : memref<!tpu.dma_semaphore, #tpu.memory_space<semaphore_mem>>) src(%arg19 : memref<32x64xf32, #tpu.memory_space<vmem>>) dst(%dma_wait3A_40 : memref<10368x64xf32, #tpu.memory_space<vmem_shared>>)
      tpu.yield
    }) : () -> ()
    %barrier3A_29 = arith.constant 0 : index
    tpu.barrier barrier_id(%barrier3A_29)
    "tpu.region"() ({
      %run_scoped3A = tpu.sem_alloc : memref<!tpu.dma_semaphore, #tpu.memory_space<semaphore_mem>>
      %dma_start3A_35 = arith.constant 0 : i32
      %dma_start3A_36 = tpu.memref_slice %arg7[%arg0, %mul3A_6, %dma_start3A_35] : memref<2x10368x64xf32, #tpu.memory_space<hbm>> -> memref<1x648x64xf32, #tpu.memory_space<hbm>>
      %dma_start3A_37 = tpu.memref_squeeze %dma_start3A_36 : memref<1x648x64xf32, #tpu.memory_space<hbm>> -> memref<648x64xf32, #tpu.memory_space<hbm>>
      %dma_start3A_38 = arith.constant 0 : i32
      %dma_start3A_39 = tpu.memref_slice %arg24[%mul3A_6, %dma_start3A_38] : memref<10368x64xf32, #tpu.memory_space<vmem_shared>> -> memref<648x64xf32, #tpu.memory_space<vmem_shared>>
      tpu.enqueue_dma source(%dma_start3A_39 : memref<648x64xf32, #tpu.memory_space<vmem_shared>>) target(%dma_start3A_37 : memref<648x64xf32, #tpu.memory_space<hbm>>) target_semaphore(%run_scoped3A : memref<!tpu.dma_semaphore, #tpu.memory_space<semaphore_mem>>)
      %dma_wait3A_40 = arith.constant 0 : i32
      %dma_wait3A_41 = tpu.memref_slice %arg7[%arg0, %mul3A_6, %dma_wait3A_40] : memref<2x10368x64xf32, #tpu.memory_space<hbm>> -> memref<1x648x64xf32, #tpu.memory_space<hbm>>
      %dma_wait3A_42 = tpu.memref_squeeze %dma_wait3A_41 : memref<1x648x64xf32, #tpu.memory_space<hbm>> -> memref<648x64xf32, #tpu.memory_space<hbm>>
      %dma_wait3A_43 = arith.constant 0 : i32
      %dma_wait3A_44 = tpu.memref_slice %arg24[%mul3A_6, %dma_wait3A_43] : memref<10368x64xf32, #tpu.memory_space<vmem_shared>> -> memref<648x64xf32, #tpu.memory_space<vmem_shared>>
      tpu.wait_dma2 semaphore(%run_scoped3A : memref<!tpu.dma_semaphore, #tpu.memory_space<semaphore_mem>>) src(%dma_wait3A_44 : memref<648x64xf32, #tpu.memory_space<vmem_shared>>) dst(%dma_wait3A_42 : memref<648x64xf32, #tpu.memory_space<hbm>>)
      tpu.yield
    }) : () -> ()
    %eq3A_30 = arith.constant 0 : i32
    %eq3A_31 = arith.cmpi eq, %arg0, %eq3A_30 : i32
    %convert_element_type3A_32 = arith.extui %eq3A_31 : i1 to i32
    %cond3A_33 = arith.constant 0 : i32
    %cond3A_34 = arith.cmpi ne, %convert_element_type3A_32, %cond3A_33 : i32
    scf.if %cond3A_34 {
      "tpu.region"() ({
        %run_scoped3A = tpu.sem_alloc : memref<!tpu.dma_semaphore, #tpu.memory_space<semaphore_mem>>
        %dma_start3A_35 = arith.constant 0 : i32
        %dma_start3A_36 = tpu.memref_slice %arg8[%mul3A_6, %dma_start3A_35] : memref<10368x16xf32, #tpu.memory_space<hbm>> -> memref<648x16xf32, #tpu.memory_space<hbm>>
        %dma_start3A_37 = arith.constant 0 : i32
        %dma_start3A_38 = tpu.memref_slice %arg25[%mul3A_6, %dma_start3A_37] : memref<10368x16xf32, #tpu.memory_space<vmem_shared>> -> memref<648x16xf32, #tpu.memory_space<vmem_shared>>
        tpu.enqueue_dma source(%dma_start3A_38 : memref<648x16xf32, #tpu.memory_space<vmem_shared>>) target(%dma_start3A_36 : memref<648x16xf32, #tpu.memory_space<hbm>>) target_semaphore(%run_scoped3A : memref<!tpu.dma_semaphore, #tpu.memory_space<semaphore_mem>>)
        %dma_wait3A_39 = arith.constant 0 : i32
        %dma_wait3A_40 = tpu.memref_slice %arg8[%mul3A_6, %dma_wait3A_39] : memref<10368x16xf32, #tpu.memory_space<hbm>> -> memref<648x16xf32, #tpu.memory_space<hbm>>
        %dma_wait3A_41 = arith.constant 0 : i32
        %dma_wait3A_42 = tpu.memref_slice %arg25[%mul3A_6, %dma_wait3A_41] : memref<10368x16xf32, #tpu.memory_space<vmem_shared>> -> memref<648x16xf32, #tpu.memory_space<vmem_shared>>
        tpu.wait_dma2 semaphore(%run_scoped3A : memref<!tpu.dma_semaphore, #tpu.memory_space<semaphore_mem>>) src(%dma_wait3A_42 : memref<648x16xf32, #tpu.memory_space<vmem_shared>>) dst(%dma_wait3A_40 : memref<648x16xf32, #tpu.memory_space<hbm>>)
        tpu.yield
      }) : () -> ()
    } else {
    }
    return
  }
}

module attributes {stable_mosaic.version = 14 : i64} {
  func.func @_s1_body(%arg0: i32, %arg1: memref<128x10240xf32, #tpu.memory_space<vmem>>, %arg2: memref<64x128xf32, #tpu.memory_space<vmem>>, %arg3: memref<1280x128xf32, #tpu.memory_space<vmem>>, %arg4: memref<128x128xf32, #tpu.memory_space<vmem>>, %arg5: memref<128x128xf32, #tpu.memory_space<vmem>>, %arg6: memref<1x10240xi32, #tpu.memory_space<vmem>>, %arg7: memref<1x1x64xi32, #tpu.memory_space<vmem>>, %arg8: memref<1280x128xf32, #tpu.memory_space<vmem>>, %arg9: memref<1280x128xf32, #tpu.memory_space<vmem>>) attributes {dimension_semantics = [#tpu.dimension_semantics<arbitrary>], iteration_bounds = array<i64: 8>, scalar_prefetch = 0 : i64, scratch_operands = 0 : i64, tpu.core_type = #tpu.core_type<tc>, window_params = [{pipeline_mode = #tpu.pipeline_mode<synchronous>, transform_indices = @transform_0, window_bounds = array<i64: 128, 10240>}, {transform_indices = @transform_1, window_bounds = array<i64: 64, 128>}, {transform_indices = @transform_2, window_bounds = array<i64: 1280, 128>}, {pipeline_mode = #tpu.pipeline_mode<synchronous>, transform_indices = @transform_3, window_bounds = array<i64: 128, 128>}, {pipeline_mode = #tpu.pipeline_mode<synchronous>, transform_indices = @transform_4, window_bounds = array<i64: 128, 128>}, {pipeline_mode = #tpu.pipeline_mode<synchronous>, transform_indices = @transform_5, window_bounds = array<i64: 1, 10240>}, {transform_indices = @transform_6, window_bounds = array<i64: 1, 1, 64>}, {transform_indices = @transform_7, window_bounds = array<i64: 1280, 128>}, {transform_indices = @transform_8, window_bounds = array<i64: 1280, 128>}]} {
    %get3A = arith.constant 0 : index
    %get3A_0 = arith.constant 0 : index
    %get3A_1 = vector.load %arg3[%get3A, %get3A_0] : memref<1280x128xf32, #tpu.memory_space<vmem>>, vector<1280x128xf32>
    %get3A_2 = arith.constant 0 : index
    %get3A_3 = arith.constant 0 : index
    %get3A_4 = vector.load %arg5[%get3A_2, %get3A_3] : memref<128x128xf32, #tpu.memory_space<vmem>>, vector<128x128xf32>
    %dot_general3A = arith.constant dense<0.000000e+00> : vector<1280x128xf32>
    %dot_general3A_5 = tpu.matmul %get3A_1, %get3A_4, %dot_general3A {dimension_numbers = #tpu.dot_dimension_numbers<[1], [0], [0], [1], [0, 0, 1, 1], [], []>, transpose_lhs_hint = false} : vector<1280x128xf32>, vector<128x128xf32>, vector<1280x128xf32> -> vector<1280x128xf32>
    %swap3A = arith.constant 0 : index
    %swap3A_6 = arith.constant 0 : index
    %swap3A_7 = vector.load %arg8[%swap3A, %swap3A_6] : memref<1280x128xf32, #tpu.memory_space<vmem>>, vector<1280x128xf32>
    tpu.vector_store %arg8[%swap3A, %swap3A_6], %dot_general3A_5 {strides = array<i32>} : memref<1280x128xf32, #tpu.memory_space<vmem>>, vector<1280x128xf32>,
    %get3A_8 = arith.constant 0 : index
    %get3A_9 = arith.constant 0 : index
    %get3A_10 = vector.load %arg4[%get3A_8, %get3A_9] : memref<128x128xf32, #tpu.memory_space<vmem>>, vector<128x128xf32>
    %dot_general3A_11 = arith.constant dense<0.000000e+00> : vector<1280x128xf32>
    %dot_general3A_12 = tpu.matmul %get3A_1, %get3A_10, %dot_general3A_11 {dimension_numbers = #tpu.dot_dimension_numbers<[1], [0], [0], [1], [0, 0, 1, 1], [], []>, transpose_lhs_hint = false} : vector<1280x128xf32>, vector<128x128xf32>, vector<1280x128xf32> -> vector<1280x128xf32>
    %swap3A_13 = arith.constant 0 : index
    %swap3A_14 = arith.constant 0 : index
    %swap3A_15 = vector.load %arg9[%swap3A_13, %swap3A_14] : memref<1280x128xf32, #tpu.memory_space<vmem>>, vector<1280x128xf32>
    tpu.vector_store %arg9[%swap3A_13, %swap3A_14], %dot_general3A_12 {strides = array<i32>} : memref<1280x128xf32, #tpu.memory_space<vmem>>, vector<1280x128xf32>,
    %get3A_16 = arith.constant 0 : index
    %get3A_17 = arith.constant 0 : index
    %get3A_18 = vector.load %arg1[%get3A_16, %get3A_17] : memref<128x10240xf32, #tpu.memory_space<vmem>>, vector<128x10240xf32>
    %mul3A = arith.mulf %get3A_18, %get3A_18 : vector<128x10240xf32>
    %reduce_sum3A = arith.constant dense<0.000000e+00> : vector<10240xf32>
    %reduce_sum3A_19 = vector.multi_reduction <add>, %mul3A, %reduce_sum3A [0] : vector<128x10240xf32> to vector<10240xf32>
    %broadcast_in_dim3A = vector.shape_cast %reduce_sum3A_19 : vector<10240xf32> to vector<1x10240xf32>
    %iota3A = tpu.iota {dimensions = array<i32: 1>} : vector<1x10240xi32>
    %lt3A = arith.constant 10000 : i32
    %lt3A_20 = vector.broadcast %lt3A : i32 to vector<1x10240xi32>
    %lt3A_21 = arith.cmpi slt, %iota3A, %lt3A_20 : vector<1x10240xi32>
    %jit3A = arith.constant 0x7F800000 : f32
    %broadcast_in_dim3A_22 = vector.broadcast %jit3A : f32 to vector<1x10240xf32>
    %select_n3A = arith.select %lt3A_21, %broadcast_in_dim3A, %broadcast_in_dim3A_22 : vector<1x10240xi1>, vector<1x10240xf32>
    %get3A_23 = arith.constant 0 : index
    %get3A_24 = arith.constant 0 : index
    %get3A_25 = vector.load %arg2[%get3A_23, %get3A_24] : memref<64x128xf32, #tpu.memory_space<vmem>>, vector<64x128xf32>
    %mul3A_26 = arith.mulf %get3A_25, %get3A_25 : vector<64x128xf32>
    %reduce_sum3A_27 = arith.constant dense<0.000000e+00> : vector<64xf32>
    %reduce_sum3A_28 = vector.multi_reduction <add>, %mul3A_26, %reduce_sum3A_27 [1] : vector<64x128xf32> to vector<64xf32>
    %broadcast_in_dim3A_29 = vector.shape_cast %reduce_sum3A_28 : vector<64xf32> to vector<64x1xf32>
    %dot_general3A_30 = arith.constant dense<0.000000e+00> : vector<64x10240xf32>
    %dot_general3A_31 = tpu.matmul %get3A_25, %get3A_18, %dot_general3A_30 {dimension_numbers = #tpu.dot_dimension_numbers<[1], [0], [0], [1], [0, 0, 1, 1], [], []>, transpose_lhs_hint = false} : vector<64x128xf32>, vector<128x10240xf32>, vector<64x10240xf32> -> vector<64x10240xf32>
    %add3A = vector.broadcast %broadcast_in_dim3A_29 : vector<64x1xf32> to vector<64x10240xf32>
    %add3A_32 = vector.broadcast %select_n3A : vector<1x10240xf32> to vector<64x10240xf32>
    %add3A_33 = arith.addf %add3A, %add3A_32 : vector<64x10240xf32>
    %mul3A_34 = arith.constant 2.000000e+00 : f32
    %mul3A_35 = vector.broadcast %mul3A_34 : f32 to vector<64x10240xf32>
    %mul3A_36 = arith.mulf %mul3A_35, %dot_general3A_31 : vector<64x10240xf32>
    %sub3A = arith.subf %add3A_33, %mul3A_36 : vector<64x10240xf32>
    %max3A = arith.constant 0.000000e+00 : f32
    %max3A_37 = vector.broadcast %max3A : f32 to vector<64x10240xf32>
    %max3A_38 = arith.maximumf %sub3A, %max3A_37 : vector<64x10240xf32>
    %bitcast_convert_type3A = tpu.bitcast %max3A_38 : vector<64x10240xf32> -> vector<64x10240xi32>
    %broadcast_in_dim3A_39 = arith.constant 0 : i32
    %broadcast_in_dim3A_40 = vector.broadcast %broadcast_in_dim3A_39 : i32 to vector<64x1xi32>
    %or3A = arith.constant 1073741824 : i32
    %or3A_41 = vector.broadcast %or3A : i32 to vector<64x1xi32>
    %or3A_42 = arith.ori %broadcast_in_dim3A_40, %or3A_41 : vector<64x1xi32>
    %lt3A_43 = vector.broadcast %or3A_42 : vector<64x1xi32> to vector<64x10240xi32>
    %lt3A_44 = arith.cmpi slt, %bitcast_convert_type3A, %lt3A_43 : vector<64x10240xi32>
    %convert_element_type3A = arith.extui %lt3A_44 : vector<64x10240xi1> to vector<64x10240xi32>
    %reduce_sum3A_45 = arith.constant dense<0> : vector<64xi32>
    %reduce_sum3A_46 = vector.multi_reduction <add>, %convert_element_type3A, %reduce_sum3A_45 [1] : vector<64x10240xi32> to vector<64xi32>
    %broadcast_in_dim3A_47 = vector.shape_cast %reduce_sum3A_46 : vector<64xi32> to vector<64x1xi32>
    %le3A = arith.constant 63 : i32
    %le3A_48 = vector.broadcast %le3A : i32 to vector<64x1xi32>
    %le3A_49 = arith.cmpi sle, %broadcast_in_dim3A_47, %le3A_48 : vector<64x1xi32>
    %select_n3A_50 = arith.select %le3A_49, %or3A_42, %broadcast_in_dim3A_40 : vector<64x1xi1>, vector<64x1xi32>
    %or3A_51 = arith.constant 536870912 : i32
    %or3A_52 = vector.broadcast %or3A_51 : i32 to vector<64x1xi32>
    %or3A_53 = arith.ori %select_n3A_50, %or3A_52 : vector<64x1xi32>
    %lt3A_54 = vector.broadcast %or3A_53 : vector<64x1xi32> to vector<64x10240xi32>
    %lt3A_55 = arith.cmpi slt, %bitcast_convert_type3A, %lt3A_54 : vector<64x10240xi32>
    %convert_element_type3A_56 = arith.extui %lt3A_55 : vector<64x10240xi1> to vector<64x10240xi32>
    %reduce_sum3A_57 = arith.constant dense<0> : vector<64xi32>
    %reduce_sum3A_58 = vector.multi_reduction <add>, %convert_element_type3A_56, %reduce_sum3A_57 [1] : vector<64x10240xi32> to vector<64xi32>
    %broadcast_in_dim3A_59 = vector.shape_cast %reduce_sum3A_58 : vector<64xi32> to vector<64x1xi32>
    %le3A_60 = arith.constant 63 : i32
    %le3A_61 = vector.broadcast %le3A_60 : i32 to vector<64x1xi32>
    %le3A_62 = arith.cmpi sle, %broadcast_in_dim3A_59, %le3A_61 : vector<64x1xi32>
    %select_n3A_63 = arith.select %le3A_62, %or3A_53, %select_n3A_50 : vector<64x1xi1>, vector<64x1xi32>
    %or3A_64 = arith.constant 268435456 : i32
    %or3A_65 = vector.broadcast %or3A_64 : i32 to vector<64x1xi32>
    %or3A_66 = arith.ori %select_n3A_63, %or3A_65 : vector<64x1xi32>
    %lt3A_67 = vector.broadcast %or3A_66 : vector<64x1xi32> to vector<64x10240xi32>
    %lt3A_68 = arith.cmpi slt, %bitcast_convert_type3A, %lt3A_67 : vector<64x10240xi32>
    %convert_element_type3A_69 = arith.extui %lt3A_68 : vector<64x10240xi1> to vector<64x10240xi32>
    %reduce_sum3A_70 = arith.constant dense<0> : vector<64xi32>
    %reduce_sum3A_71 = vector.multi_reduction <add>, %convert_element_type3A_69, %reduce_sum3A_70 [1] : vector<64x10240xi32> to vector<64xi32>
    %broadcast_in_dim3A_72 = vector.shape_cast %reduce_sum3A_71 : vector<64xi32> to vector<64x1xi32>
    %le3A_73 = arith.constant 63 : i32
    %le3A_74 = vector.broadcast %le3A_73 : i32 to vector<64x1xi32>
    %le3A_75 = arith.cmpi sle, %broadcast_in_dim3A_72, %le3A_74 : vector<64x1xi32>
    %select_n3A_76 = arith.select %le3A_75, %or3A_66, %select_n3A_63 : vector<64x1xi1>, vector<64x1xi32>
    %or3A_77 = arith.constant 134217728 : i32
    %or3A_78 = vector.broadcast %or3A_77 : i32 to vector<64x1xi32>
    %or3A_79 = arith.ori %select_n3A_76, %or3A_78 : vector<64x1xi32>
    %lt3A_80 = vector.broadcast %or3A_79 : vector<64x1xi32> to vector<64x10240xi32>
    %lt3A_81 = arith.cmpi slt, %bitcast_convert_type3A, %lt3A_80 : vector<64x10240xi32>
    %convert_element_type3A_82 = arith.extui %lt3A_81 : vector<64x10240xi1> to vector<64x10240xi32>
    %reduce_sum3A_83 = arith.constant dense<0> : vector<64xi32>
    %reduce_sum3A_84 = vector.multi_reduction <add>, %convert_element_type3A_82, %reduce_sum3A_83 [1] : vector<64x10240xi32> to vector<64xi32>
    %broadcast_in_dim3A_85 = vector.shape_cast %reduce_sum3A_84 : vector<64xi32> to vector<64x1xi32>
    %le3A_86 = arith.constant 63 : i32
    %le3A_87 = vector.broadcast %le3A_86 : i32 to vector<64x1xi32>
    %le3A_88 = arith.cmpi sle, %broadcast_in_dim3A_85, %le3A_87 : vector<64x1xi32>
    %select_n3A_89 = arith.select %le3A_88, %or3A_79, %select_n3A_76 : vector<64x1xi1>, vector<64x1xi32>
    %or3A_90 = arith.constant 67108864 : i32
    %or3A_91 = vector.broadcast %or3A_90 : i32 to vector<64x1xi32>
    %or3A_92 = arith.ori %select_n3A_89, %or3A_91 : vector<64x1xi32>
    %lt3A_93 = vector.broadcast %or3A_92 : vector<64x1xi32> to vector<64x10240xi32>
    %lt3A_94 = arith.cmpi slt, %bitcast_convert_type3A, %lt3A_93 : vector<64x10240xi32>
    %convert_element_type3A_95 = arith.extui %lt3A_94 : vector<64x10240xi1> to vector<64x10240xi32>
    %reduce_sum3A_96 = arith.constant dense<0> : vector<64xi32>
    %reduce_sum3A_97 = vector.multi_reduction <add>, %convert_element_type3A_95, %reduce_sum3A_96 [1] : vector<64x10240xi32> to vector<64xi32>
    %broadcast_in_dim3A_98 = vector.shape_cast %reduce_sum3A_97 : vector<64xi32> to vector<64x1xi32>
    %le3A_99 = arith.constant 63 : i32
    %le3A_100 = vector.broadcast %le3A_99 : i32 to vector<64x1xi32>
    %le3A_101 = arith.cmpi sle, %broadcast_in_dim3A_98, %le3A_100 : vector<64x1xi32>
    %select_n3A_102 = arith.select %le3A_101, %or3A_92, %select_n3A_89 : vector<64x1xi1>, vector<64x1xi32>
    %or3A_103 = arith.constant 33554432 : i32
    %or3A_104 = vector.broadcast %or3A_103 : i32 to vector<64x1xi32>
    %or3A_105 = arith.ori %select_n3A_102, %or3A_104 : vector<64x1xi32>
    %lt3A_106 = vector.broadcast %or3A_105 : vector<64x1xi32> to vector<64x10240xi32>
    %lt3A_107 = arith.cmpi slt, %bitcast_convert_type3A, %lt3A_106 : vector<64x10240xi32>
    %convert_element_type3A_108 = arith.extui %lt3A_107 : vector<64x10240xi1> to vector<64x10240xi32>
    %reduce_sum3A_109 = arith.constant dense<0> : vector<64xi32>
    %reduce_sum3A_110 = vector.multi_reduction <add>, %convert_element_type3A_108, %reduce_sum3A_109 [1] : vector<64x10240xi32> to vector<64xi32>
    %broadcast_in_dim3A_111 = vector.shape_cast %reduce_sum3A_110 : vector<64xi32> to vector<64x1xi32>
    %le3A_112 = arith.constant 63 : i32
    %le3A_113 = vector.broadcast %le3A_112 : i32 to vector<64x1xi32>
    %le3A_114 = arith.cmpi sle, %broadcast_in_dim3A_111, %le3A_113 : vector<64x1xi32>
    %select_n3A_115 = arith.select %le3A_114, %or3A_105, %select_n3A_102 : vector<64x1xi1>, vector<64x1xi32>
    %or3A_116 = arith.constant 16777216 : i32
    %or3A_117 = vector.broadcast %or3A_116 : i32 to vector<64x1xi32>
    %or3A_118 = arith.ori %select_n3A_115, %or3A_117 : vector<64x1xi32>
    %lt3A_119 = vector.broadcast %or3A_118 : vector<64x1xi32> to vector<64x10240xi32>
    %lt3A_120 = arith.cmpi slt, %bitcast_convert_type3A, %lt3A_119 : vector<64x10240xi32>
    %convert_element_type3A_121 = arith.extui %lt3A_120 : vector<64x10240xi1> to vector<64x10240xi32>
    %reduce_sum3A_122 = arith.constant dense<0> : vector<64xi32>
    %reduce_sum3A_123 = vector.multi_reduction <add>, %convert_element_type3A_121, %reduce_sum3A_122 [1] : vector<64x10240xi32> to vector<64xi32>
    %broadcast_in_dim3A_124 = vector.shape_cast %reduce_sum3A_123 : vector<64xi32> to vector<64x1xi32>
    %le3A_125 = arith.constant 63 : i32
    %le3A_126 = vector.broadcast %le3A_125 : i32 to vector<64x1xi32>
    %le3A_127 = arith.cmpi sle, %broadcast_in_dim3A_124, %le3A_126 : vector<64x1xi32>
    %select_n3A_128 = arith.select %le3A_127, %or3A_118, %select_n3A_115 : vector<64x1xi1>, vector<64x1xi32>
    %or3A_129 = arith.constant 8388608 : i32
    %or3A_130 = vector.broadcast %or3A_129 : i32 to vector<64x1xi32>
    %or3A_131 = arith.ori %select_n3A_128, %or3A_130 : vector<64x1xi32>
    %lt3A_132 = vector.broadcast %or3A_131 : vector<64x1xi32> to vector<64x10240xi32>
    %lt3A_133 = arith.cmpi slt, %bitcast_convert_type3A, %lt3A_132 : vector<64x10240xi32>
    %convert_element_type3A_134 = arith.extui %lt3A_133 : vector<64x10240xi1> to vector<64x10240xi32>
    %reduce_sum3A_135 = arith.constant dense<0> : vector<64xi32>
    %reduce_sum3A_136 = vector.multi_reduction <add>, %convert_element_type3A_134, %reduce_sum3A_135 [1] : vector<64x10240xi32> to vector<64xi32>
    %broadcast_in_dim3A_137 = vector.shape_cast %reduce_sum3A_136 : vector<64xi32> to vector<64x1xi32>
    %le3A_138 = arith.constant 63 : i32
    %le3A_139 = vector.broadcast %le3A_138 : i32 to vector<64x1xi32>
    %le3A_140 = arith.cmpi sle, %broadcast_in_dim3A_137, %le3A_139 : vector<64x1xi32>
    %select_n3A_141 = arith.select %le3A_140, %or3A_131, %select_n3A_128 : vector<64x1xi1>, vector<64x1xi32>
    %or3A_142 = arith.constant 4194304 : i32
    %or3A_143 = vector.broadcast %or3A_142 : i32 to vector<64x1xi32>
    %or3A_144 = arith.ori %select_n3A_141, %or3A_143 : vector<64x1xi32>
    %lt3A_145 = vector.broadcast %or3A_144 : vector<64x1xi32> to vector<64x10240xi32>
    %lt3A_146 = arith.cmpi slt, %bitcast_convert_type3A, %lt3A_145 : vector<64x10240xi32>
    %convert_element_type3A_147 = arith.extui %lt3A_146 : vector<64x10240xi1> to vector<64x10240xi32>
    %reduce_sum3A_148 = arith.constant dense<0> : vector<64xi32>
    %reduce_sum3A_149 = vector.multi_reduction <add>, %convert_element_type3A_147, %reduce_sum3A_148 [1] : vector<64x10240xi32> to vector<64xi32>
    %broadcast_in_dim3A_150 = vector.shape_cast %reduce_sum3A_149 : vector<64xi32> to vector<64x1xi32>
    %le3A_151 = arith.constant 63 : i32
    %le3A_152 = vector.broadcast %le3A_151 : i32 to vector<64x1xi32>
    %le3A_153 = arith.cmpi sle, %broadcast_in_dim3A_150, %le3A_152 : vector<64x1xi32>
    %select_n3A_154 = arith.select %le3A_153, %or3A_144, %select_n3A_141 : vector<64x1xi1>, vector<64x1xi32>
    %or3A_155 = arith.constant 2097152 : i32
    %or3A_156 = vector.broadcast %or3A_155 : i32 to vector<64x1xi32>
    %or3A_157 = arith.ori %select_n3A_154, %or3A_156 : vector<64x1xi32>
    %lt3A_158 = vector.broadcast %or3A_157 : vector<64x1xi32> to vector<64x10240xi32>
    %lt3A_159 = arith.cmpi slt, %bitcast_convert_type3A, %lt3A_158 : vector<64x10240xi32>
    %convert_element_type3A_160 = arith.extui %lt3A_159 : vector<64x10240xi1> to vector<64x10240xi32>
    %reduce_sum3A_161 = arith.constant dense<0> : vector<64xi32>
    %reduce_sum3A_162 = vector.multi_reduction <add>, %convert_element_type3A_160, %reduce_sum3A_161 [1] : vector<64x10240xi32> to vector<64xi32>
    %broadcast_in_dim3A_163 = vector.shape_cast %reduce_sum3A_162 : vector<64xi32> to vector<64x1xi32>
    %le3A_164 = arith.constant 63 : i32
    %le3A_165 = vector.broadcast %le3A_164 : i32 to vector<64x1xi32>
    %le3A_166 = arith.cmpi sle, %broadcast_in_dim3A_163, %le3A_165 : vector<64x1xi32>
    %select_n3A_167 = arith.select %le3A_166, %or3A_157, %select_n3A_154 : vector<64x1xi1>, vector<64x1xi32>
    %or3A_168 = arith.constant 1048576 : i32
    %or3A_169 = vector.broadcast %or3A_168 : i32 to vector<64x1xi32>
    %or3A_170 = arith.ori %select_n3A_167, %or3A_169 : vector<64x1xi32>
    %lt3A_171 = vector.broadcast %or3A_170 : vector<64x1xi32> to vector<64x10240xi32>
    %lt3A_172 = arith.cmpi slt, %bitcast_convert_type3A, %lt3A_171 : vector<64x10240xi32>
    %convert_element_type3A_173 = arith.extui %lt3A_172 : vector<64x10240xi1> to vector<64x10240xi32>
    %reduce_sum3A_174 = arith.constant dense<0> : vector<64xi32>
    %reduce_sum3A_175 = vector.multi_reduction <add>, %convert_element_type3A_173, %reduce_sum3A_174 [1] : vector<64x10240xi32> to vector<64xi32>
    %broadcast_in_dim3A_176 = vector.shape_cast %reduce_sum3A_175 : vector<64xi32> to vector<64x1xi32>
    %le3A_177 = arith.constant 63 : i32
    %le3A_178 = vector.broadcast %le3A_177 : i32 to vector<64x1xi32>
    %le3A_179 = arith.cmpi sle, %broadcast_in_dim3A_176, %le3A_178 : vector<64x1xi32>
    %select_n3A_180 = arith.select %le3A_179, %or3A_170, %select_n3A_167 : vector<64x1xi1>, vector<64x1xi32>
    %or3A_181 = arith.constant 524288 : i32
    %or3A_182 = vector.broadcast %or3A_181 : i32 to vector<64x1xi32>
    %or3A_183 = arith.ori %select_n3A_180, %or3A_182 : vector<64x1xi32>
    %lt3A_184 = vector.broadcast %or3A_183 : vector<64x1xi32> to vector<64x10240xi32>
    %lt3A_185 = arith.cmpi slt, %bitcast_convert_type3A, %lt3A_184 : vector<64x10240xi32>
    %convert_element_type3A_186 = arith.extui %lt3A_185 : vector<64x10240xi1> to vector<64x10240xi32>
    %reduce_sum3A_187 = arith.constant dense<0> : vector<64xi32>
    %reduce_sum3A_188 = vector.multi_reduction <add>, %convert_element_type3A_186, %reduce_sum3A_187 [1] : vector<64x10240xi32> to vector<64xi32>
    %broadcast_in_dim3A_189 = vector.shape_cast %reduce_sum3A_188 : vector<64xi32> to vector<64x1xi32>
    %le3A_190 = arith.constant 63 : i32
    %le3A_191 = vector.broadcast %le3A_190 : i32 to vector<64x1xi32>
    %le3A_192 = arith.cmpi sle, %broadcast_in_dim3A_189, %le3A_191 : vector<64x1xi32>
    %select_n3A_193 = arith.select %le3A_192, %or3A_183, %select_n3A_180 : vector<64x1xi1>, vector<64x1xi32>
    %or3A_194 = arith.constant 262144 : i32
    %or3A_195 = vector.broadcast %or3A_194 : i32 to vector<64x1xi32>
    %or3A_196 = arith.ori %select_n3A_193, %or3A_195 : vector<64x1xi32>
    %lt3A_197 = vector.broadcast %or3A_196 : vector<64x1xi32> to vector<64x10240xi32>
    %lt3A_198 = arith.cmpi slt, %bitcast_convert_type3A, %lt3A_197 : vector<64x10240xi32>
    %convert_element_type3A_199 = arith.extui %lt3A_198 : vector<64x10240xi1> to vector<64x10240xi32>
    %reduce_sum3A_200 = arith.constant dense<0> : vector<64xi32>
    %reduce_sum3A_201 = vector.multi_reduction <add>, %convert_element_type3A_199, %reduce_sum3A_200 [1] : vector<64x10240xi32> to vector<64xi32>
    %broadcast_in_dim3A_202 = vector.shape_cast %reduce_sum3A_201 : vector<64xi32> to vector<64x1xi32>
    %le3A_203 = arith.constant 63 : i32
    %le3A_204 = vector.broadcast %le3A_203 : i32 to vector<64x1xi32>
    %le3A_205 = arith.cmpi sle, %broadcast_in_dim3A_202, %le3A_204 : vector<64x1xi32>
    %select_n3A_206 = arith.select %le3A_205, %or3A_196, %select_n3A_193 : vector<64x1xi1>, vector<64x1xi32>
    %or3A_207 = arith.constant 131072 : i32
    %or3A_208 = vector.broadcast %or3A_207 : i32 to vector<64x1xi32>
    %or3A_209 = arith.ori %select_n3A_206, %or3A_208 : vector<64x1xi32>
    %lt3A_210 = vector.broadcast %or3A_209 : vector<64x1xi32> to vector<64x10240xi32>
    %lt3A_211 = arith.cmpi slt, %bitcast_convert_type3A, %lt3A_210 : vector<64x10240xi32>
    %convert_element_type3A_212 = arith.extui %lt3A_211 : vector<64x10240xi1> to vector<64x10240xi32>
    %reduce_sum3A_213 = arith.constant dense<0> : vector<64xi32>
    %reduce_sum3A_214 = vector.multi_reduction <add>, %convert_element_type3A_212, %reduce_sum3A_213 [1] : vector<64x10240xi32> to vector<64xi32>
    %broadcast_in_dim3A_215 = vector.shape_cast %reduce_sum3A_214 : vector<64xi32> to vector<64x1xi32>
    %le3A_216 = arith.constant 63 : i32
    %le3A_217 = vector.broadcast %le3A_216 : i32 to vector<64x1xi32>
    %le3A_218 = arith.cmpi sle, %broadcast_in_dim3A_215, %le3A_217 : vector<64x1xi32>
    %select_n3A_219 = arith.select %le3A_218, %or3A_209, %select_n3A_206 : vector<64x1xi1>, vector<64x1xi32>
    %or3A_220 = arith.constant 65536 : i32
    %or3A_221 = vector.broadcast %or3A_220 : i32 to vector<64x1xi32>
    %or3A_222 = arith.ori %select_n3A_219, %or3A_221 : vector<64x1xi32>
    %lt3A_223 = vector.broadcast %or3A_222 : vector<64x1xi32> to vector<64x10240xi32>
    %lt3A_224 = arith.cmpi slt, %bitcast_convert_type3A, %lt3A_223 : vector<64x10240xi32>
    %convert_element_type3A_225 = arith.extui %lt3A_224 : vector<64x10240xi1> to vector<64x10240xi32>
    %reduce_sum3A_226 = arith.constant dense<0> : vector<64xi32>
    %reduce_sum3A_227 = vector.multi_reduction <add>, %convert_element_type3A_225, %reduce_sum3A_226 [1] : vector<64x10240xi32> to vector<64xi32>
    %broadcast_in_dim3A_228 = vector.shape_cast %reduce_sum3A_227 : vector<64xi32> to vector<64x1xi32>
    %le3A_229 = arith.constant 63 : i32
    %le3A_230 = vector.broadcast %le3A_229 : i32 to vector<64x1xi32>
    %le3A_231 = arith.cmpi sle, %broadcast_in_dim3A_228, %le3A_230 : vector<64x1xi32>
    %select_n3A_232 = arith.select %le3A_231, %or3A_222, %select_n3A_219 : vector<64x1xi1>, vector<64x1xi32>
    %or3A_233 = arith.constant 32768 : i32
    %or3A_234 = vector.broadcast %or3A_233 : i32 to vector<64x1xi32>
    %or3A_235 = arith.ori %select_n3A_232, %or3A_234 : vector<64x1xi32>
    %lt3A_236 = vector.broadcast %or3A_235 : vector<64x1xi32> to vector<64x10240xi32>
    %lt3A_237 = arith.cmpi slt, %bitcast_convert_type3A, %lt3A_236 : vector<64x10240xi32>
    %convert_element_type3A_238 = arith.extui %lt3A_237 : vector<64x10240xi1> to vector<64x10240xi32>
    %reduce_sum3A_239 = arith.constant dense<0> : vector<64xi32>
    %reduce_sum3A_240 = vector.multi_reduction <add>, %convert_element_type3A_238, %reduce_sum3A_239 [1] : vector<64x10240xi32> to vector<64xi32>
    %broadcast_in_dim3A_241 = vector.shape_cast %reduce_sum3A_240 : vector<64xi32> to vector<64x1xi32>
    %le3A_242 = arith.constant 63 : i32
    %le3A_243 = vector.broadcast %le3A_242 : i32 to vector<64x1xi32>
    %le3A_244 = arith.cmpi sle, %broadcast_in_dim3A_241, %le3A_243 : vector<64x1xi32>
    %select_n3A_245 = arith.select %le3A_244, %or3A_235, %select_n3A_232 : vector<64x1xi1>, vector<64x1xi32>
    %or3A_246 = arith.constant 16384 : i32
    %or3A_247 = vector.broadcast %or3A_246 : i32 to vector<64x1xi32>
    %or3A_248 = arith.ori %select_n3A_245, %or3A_247 : vector<64x1xi32>
    %lt3A_249 = vector.broadcast %or3A_248 : vector<64x1xi32> to vector<64x10240xi32>
    %lt3A_250 = arith.cmpi slt, %bitcast_convert_type3A, %lt3A_249 : vector<64x10240xi32>
    %convert_element_type3A_251 = arith.extui %lt3A_250 : vector<64x10240xi1> to vector<64x10240xi32>
    %reduce_sum3A_252 = arith.constant dense<0> : vector<64xi32>
    %reduce_sum3A_253 = vector.multi_reduction <add>, %convert_element_type3A_251, %reduce_sum3A_252 [1] : vector<64x10240xi32> to vector<64xi32>
    %broadcast_in_dim3A_254 = vector.shape_cast %reduce_sum3A_253 : vector<64xi32> to vector<64x1xi32>
    %le3A_255 = arith.constant 63 : i32
    %le3A_256 = vector.broadcast %le3A_255 : i32 to vector<64x1xi32>
    %le3A_257 = arith.cmpi sle, %broadcast_in_dim3A_254, %le3A_256 : vector<64x1xi32>
    %select_n3A_258 = arith.select %le3A_257, %or3A_248, %select_n3A_245 : vector<64x1xi1>, vector<64x1xi32>
    %or3A_259 = arith.constant 8192 : i32
    %or3A_260 = vector.broadcast %or3A_259 : i32 to vector<64x1xi32>
    %or3A_261 = arith.ori %select_n3A_258, %or3A_260 : vector<64x1xi32>
    %lt3A_262 = vector.broadcast %or3A_261 : vector<64x1xi32> to vector<64x10240xi32>
    %lt3A_263 = arith.cmpi slt, %bitcast_convert_type3A, %lt3A_262 : vector<64x10240xi32>
    %convert_element_type3A_264 = arith.extui %lt3A_263 : vector<64x10240xi1> to vector<64x10240xi32>
    %reduce_sum3A_265 = arith.constant dense<0> : vector<64xi32>
    %reduce_sum3A_266 = vector.multi_reduction <add>, %convert_element_type3A_264, %reduce_sum3A_265 [1] : vector<64x10240xi32> to vector<64xi32>
    %broadcast_in_dim3A_267 = vector.shape_cast %reduce_sum3A_266 : vector<64xi32> to vector<64x1xi32>
    %le3A_268 = arith.constant 63 : i32
    %le3A_269 = vector.broadcast %le3A_268 : i32 to vector<64x1xi32>
    %le3A_270 = arith.cmpi sle, %broadcast_in_dim3A_267, %le3A_269 : vector<64x1xi32>
    %select_n3A_271 = arith.select %le3A_270, %or3A_261, %select_n3A_258 : vector<64x1xi1>, vector<64x1xi32>
    %or3A_272 = arith.constant 4096 : i32
    %or3A_273 = vector.broadcast %or3A_272 : i32 to vector<64x1xi32>
    %or3A_274 = arith.ori %select_n3A_271, %or3A_273 : vector<64x1xi32>
    %lt3A_275 = vector.broadcast %or3A_274 : vector<64x1xi32> to vector<64x10240xi32>
    %lt3A_276 = arith.cmpi slt, %bitcast_convert_type3A, %lt3A_275 : vector<64x10240xi32>
    %convert_element_type3A_277 = arith.extui %lt3A_276 : vector<64x10240xi1> to vector<64x10240xi32>
    %reduce_sum3A_278 = arith.constant dense<0> : vector<64xi32>
    %reduce_sum3A_279 = vector.multi_reduction <add>, %convert_element_type3A_277, %reduce_sum3A_278 [1] : vector<64x10240xi32> to vector<64xi32>
    %broadcast_in_dim3A_280 = vector.shape_cast %reduce_sum3A_279 : vector<64xi32> to vector<64x1xi32>
    %le3A_281 = arith.constant 63 : i32
    %le3A_282 = vector.broadcast %le3A_281 : i32 to vector<64x1xi32>
    %le3A_283 = arith.cmpi sle, %broadcast_in_dim3A_280, %le3A_282 : vector<64x1xi32>
    %select_n3A_284 = arith.select %le3A_283, %or3A_274, %select_n3A_271 : vector<64x1xi1>, vector<64x1xi32>
    %or3A_285 = arith.constant 2048 : i32
    %or3A_286 = vector.broadcast %or3A_285 : i32 to vector<64x1xi32>
    %or3A_287 = arith.ori %select_n3A_284, %or3A_286 : vector<64x1xi32>
    %lt3A_288 = vector.broadcast %or3A_287 : vector<64x1xi32> to vector<64x10240xi32>
    %lt3A_289 = arith.cmpi slt, %bitcast_convert_type3A, %lt3A_288 : vector<64x10240xi32>
    %convert_element_type3A_290 = arith.extui %lt3A_289 : vector<64x10240xi1> to vector<64x10240xi32>
    %reduce_sum3A_291 = arith.constant dense<0> : vector<64xi32>
    %reduce_sum3A_292 = vector.multi_reduction <add>, %convert_element_type3A_290, %reduce_sum3A_291 [1] : vector<64x10240xi32> to vector<64xi32>
    %broadcast_in_dim3A_293 = vector.shape_cast %reduce_sum3A_292 : vector<64xi32> to vector<64x1xi32>
    %le3A_294 = arith.constant 63 : i32
    %le3A_295 = vector.broadcast %le3A_294 : i32 to vector<64x1xi32>
    %le3A_296 = arith.cmpi sle, %broadcast_in_dim3A_293, %le3A_295 : vector<64x1xi32>
    %select_n3A_297 = arith.select %le3A_296, %or3A_287, %select_n3A_284 : vector<64x1xi1>, vector<64x1xi32>
    %or3A_298 = arith.constant 1024 : i32
    %or3A_299 = vector.broadcast %or3A_298 : i32 to vector<64x1xi32>
    %or3A_300 = arith.ori %select_n3A_297, %or3A_299 : vector<64x1xi32>
    %lt3A_301 = vector.broadcast %or3A_300 : vector<64x1xi32> to vector<64x10240xi32>
    %lt3A_302 = arith.cmpi slt, %bitcast_convert_type3A, %lt3A_301 : vector<64x10240xi32>
    %convert_element_type3A_303 = arith.extui %lt3A_302 : vector<64x10240xi1> to vector<64x10240xi32>
    %reduce_sum3A_304 = arith.constant dense<0> : vector<64xi32>
    %reduce_sum3A_305 = vector.multi_reduction <add>, %convert_element_type3A_303, %reduce_sum3A_304 [1] : vector<64x10240xi32> to vector<64xi32>
    %broadcast_in_dim3A_306 = vector.shape_cast %reduce_sum3A_305 : vector<64xi32> to vector<64x1xi32>
    %le3A_307 = arith.constant 63 : i32
    %le3A_308 = vector.broadcast %le3A_307 : i32 to vector<64x1xi32>
    %le3A_309 = arith.cmpi sle, %broadcast_in_dim3A_306, %le3A_308 : vector<64x1xi32>
    %select_n3A_310 = arith.select %le3A_309, %or3A_300, %select_n3A_297 : vector<64x1xi1>, vector<64x1xi32>
    %or3A_311 = arith.constant 512 : i32
    %or3A_312 = vector.broadcast %or3A_311 : i32 to vector<64x1xi32>
    %or3A_313 = arith.ori %select_n3A_310, %or3A_312 : vector<64x1xi32>
    %lt3A_314 = vector.broadcast %or3A_313 : vector<64x1xi32> to vector<64x10240xi32>
    %lt3A_315 = arith.cmpi slt, %bitcast_convert_type3A, %lt3A_314 : vector<64x10240xi32>
    %convert_element_type3A_316 = arith.extui %lt3A_315 : vector<64x10240xi1> to vector<64x10240xi32>
    %reduce_sum3A_317 = arith.constant dense<0> : vector<64xi32>
    %reduce_sum3A_318 = vector.multi_reduction <add>, %convert_element_type3A_316, %reduce_sum3A_317 [1] : vector<64x10240xi32> to vector<64xi32>
    %broadcast_in_dim3A_319 = vector.shape_cast %reduce_sum3A_318 : vector<64xi32> to vector<64x1xi32>
    %le3A_320 = arith.constant 63 : i32
    %le3A_321 = vector.broadcast %le3A_320 : i32 to vector<64x1xi32>
    %le3A_322 = arith.cmpi sle, %broadcast_in_dim3A_319, %le3A_321 : vector<64x1xi32>
    %select_n3A_323 = arith.select %le3A_322, %or3A_313, %select_n3A_310 : vector<64x1xi1>, vector<64x1xi32>
    %or3A_324 = arith.constant 256 : i32
    %or3A_325 = vector.broadcast %or3A_324 : i32 to vector<64x1xi32>
    %or3A_326 = arith.ori %select_n3A_323, %or3A_325 : vector<64x1xi32>
    %lt3A_327 = vector.broadcast %or3A_326 : vector<64x1xi32> to vector<64x10240xi32>
    %lt3A_328 = arith.cmpi slt, %bitcast_convert_type3A, %lt3A_327 : vector<64x10240xi32>
    %convert_element_type3A_329 = arith.extui %lt3A_328 : vector<64x10240xi1> to vector<64x10240xi32>
    %reduce_sum3A_330 = arith.constant dense<0> : vector<64xi32>
    %reduce_sum3A_331 = vector.multi_reduction <add>, %convert_element_type3A_329, %reduce_sum3A_330 [1] : vector<64x10240xi32> to vector<64xi32>
    %broadcast_in_dim3A_332 = vector.shape_cast %reduce_sum3A_331 : vector<64xi32> to vector<64x1xi32>
    %le3A_333 = arith.constant 63 : i32
    %le3A_334 = vector.broadcast %le3A_333 : i32 to vector<64x1xi32>
    %le3A_335 = arith.cmpi sle, %broadcast_in_dim3A_332, %le3A_334 : vector<64x1xi32>
    %select_n3A_336 = arith.select %le3A_335, %or3A_326, %select_n3A_323 : vector<64x1xi1>, vector<64x1xi32>
    %or3A_337 = arith.constant 128 : i32
    %or3A_338 = vector.broadcast %or3A_337 : i32 to vector<64x1xi32>
    %or3A_339 = arith.ori %select_n3A_336, %or3A_338 : vector<64x1xi32>
    %lt3A_340 = vector.broadcast %or3A_339 : vector<64x1xi32> to vector<64x10240xi32>
    %lt3A_341 = arith.cmpi slt, %bitcast_convert_type3A, %lt3A_340 : vector<64x10240xi32>
    %convert_element_type3A_342 = arith.extui %lt3A_341 : vector<64x10240xi1> to vector<64x10240xi32>
    %reduce_sum3A_343 = arith.constant dense<0> : vector<64xi32>
    %reduce_sum3A_344 = vector.multi_reduction <add>, %convert_element_type3A_342, %reduce_sum3A_343 [1] : vector<64x10240xi32> to vector<64xi32>
    %broadcast_in_dim3A_345 = vector.shape_cast %reduce_sum3A_344 : vector<64xi32> to vector<64x1xi32>
    %le3A_346 = arith.constant 63 : i32
    %le3A_347 = vector.broadcast %le3A_346 : i32 to vector<64x1xi32>
    %le3A_348 = arith.cmpi sle, %broadcast_in_dim3A_345, %le3A_347 : vector<64x1xi32>
    %select_n3A_349 = arith.select %le3A_348, %or3A_339, %select_n3A_336 : vector<64x1xi1>, vector<64x1xi32>
    %or3A_350 = arith.constant 64 : i32
    %or3A_351 = vector.broadcast %or3A_350 : i32 to vector<64x1xi32>
    %or3A_352 = arith.ori %select_n3A_349, %or3A_351 : vector<64x1xi32>
    %lt3A_353 = vector.broadcast %or3A_352 : vector<64x1xi32> to vector<64x10240xi32>
    %lt3A_354 = arith.cmpi slt, %bitcast_convert_type3A, %lt3A_353 : vector<64x10240xi32>
    %convert_element_type3A_355 = arith.extui %lt3A_354 : vector<64x10240xi1> to vector<64x10240xi32>
    %reduce_sum3A_356 = arith.constant dense<0> : vector<64xi32>
    %reduce_sum3A_357 = vector.multi_reduction <add>, %convert_element_type3A_355, %reduce_sum3A_356 [1] : vector<64x10240xi32> to vector<64xi32>
    %broadcast_in_dim3A_358 = vector.shape_cast %reduce_sum3A_357 : vector<64xi32> to vector<64x1xi32>
    %le3A_359 = arith.constant 63 : i32
    %le3A_360 = vector.broadcast %le3A_359 : i32 to vector<64x1xi32>
    %le3A_361 = arith.cmpi sle, %broadcast_in_dim3A_358, %le3A_360 : vector<64x1xi32>
    %select_n3A_362 = arith.select %le3A_361, %or3A_352, %select_n3A_349 : vector<64x1xi1>, vector<64x1xi32>
    %or3A_363 = arith.constant 32 : i32
    %or3A_364 = vector.broadcast %or3A_363 : i32 to vector<64x1xi32>
    %or3A_365 = arith.ori %select_n3A_362, %or3A_364 : vector<64x1xi32>
    %lt3A_366 = vector.broadcast %or3A_365 : vector<64x1xi32> to vector<64x10240xi32>
    %lt3A_367 = arith.cmpi slt, %bitcast_convert_type3A, %lt3A_366 : vector<64x10240xi32>
    %convert_element_type3A_368 = arith.extui %lt3A_367 : vector<64x10240xi1> to vector<64x10240xi32>
    %reduce_sum3A_369 = arith.constant dense<0> : vector<64xi32>
    %reduce_sum3A_370 = vector.multi_reduction <add>, %convert_element_type3A_368, %reduce_sum3A_369 [1] : vector<64x10240xi32> to vector<64xi32>
    %broadcast_in_dim3A_371 = vector.shape_cast %reduce_sum3A_370 : vector<64xi32> to vector<64x1xi32>
    %le3A_372 = arith.constant 63 : i32
    %le3A_373 = vector.broadcast %le3A_372 : i32 to vector<64x1xi32>
    %le3A_374 = arith.cmpi sle, %broadcast_in_dim3A_371, %le3A_373 : vector<64x1xi32>
    %select_n3A_375 = arith.select %le3A_374, %or3A_365, %select_n3A_362 : vector<64x1xi1>, vector<64x1xi32>
    %or3A_376 = arith.constant 16 : i32
    %or3A_377 = vector.broadcast %or3A_376 : i32 to vector<64x1xi32>
    %or3A_378 = arith.ori %select_n3A_375, %or3A_377 : vector<64x1xi32>
    %lt3A_379 = vector.broadcast %or3A_378 : vector<64x1xi32> to vector<64x10240xi32>
    %lt3A_380 = arith.cmpi slt, %bitcast_convert_type3A, %lt3A_379 : vector<64x10240xi32>
    %convert_element_type3A_381 = arith.extui %lt3A_380 : vector<64x10240xi1> to vector<64x10240xi32>
    %reduce_sum3A_382 = arith.constant dense<0> : vector<64xi32>
    %reduce_sum3A_383 = vector.multi_reduction <add>, %convert_element_type3A_381, %reduce_sum3A_382 [1] : vector<64x10240xi32> to vector<64xi32>
    %broadcast_in_dim3A_384 = vector.shape_cast %reduce_sum3A_383 : vector<64xi32> to vector<64x1xi32>
    %le3A_385 = arith.constant 63 : i32
    %le3A_386 = vector.broadcast %le3A_385 : i32 to vector<64x1xi32>
    %le3A_387 = arith.cmpi sle, %broadcast_in_dim3A_384, %le3A_386 : vector<64x1xi32>
    %select_n3A_388 = arith.select %le3A_387, %or3A_378, %select_n3A_375 : vector<64x1xi1>, vector<64x1xi32>
    %or3A_389 = arith.constant 8 : i32
    %or3A_390 = vector.broadcast %or3A_389 : i32 to vector<64x1xi32>
    %or3A_391 = arith.ori %select_n3A_388, %or3A_390 : vector<64x1xi32>
    %lt3A_392 = vector.broadcast %or3A_391 : vector<64x1xi32> to vector<64x10240xi32>
    %lt3A_393 = arith.cmpi slt, %bitcast_convert_type3A, %lt3A_392 : vector<64x10240xi32>
    %convert_element_type3A_394 = arith.extui %lt3A_393 : vector<64x10240xi1> to vector<64x10240xi32>
    %reduce_sum3A_395 = arith.constant dense<0> : vector<64xi32>
    %reduce_sum3A_396 = vector.multi_reduction <add>, %convert_element_type3A_394, %reduce_sum3A_395 [1] : vector<64x10240xi32> to vector<64xi32>
    %broadcast_in_dim3A_397 = vector.shape_cast %reduce_sum3A_396 : vector<64xi32> to vector<64x1xi32>
    %le3A_398 = arith.constant 63 : i32
    %le3A_399 = vector.broadcast %le3A_398 : i32 to vector<64x1xi32>
    %le3A_400 = arith.cmpi sle, %broadcast_in_dim3A_397, %le3A_399 : vector<64x1xi32>
    %select_n3A_401 = arith.select %le3A_400, %or3A_391, %select_n3A_388 : vector<64x1xi1>, vector<64x1xi32>
    %or3A_402 = arith.constant 4 : i32
    %or3A_403 = vector.broadcast %or3A_402 : i32 to vector<64x1xi32>
    %or3A_404 = arith.ori %select_n3A_401, %or3A_403 : vector<64x1xi32>
    %lt3A_405 = vector.broadcast %or3A_404 : vector<64x1xi32> to vector<64x10240xi32>
    %lt3A_406 = arith.cmpi slt, %bitcast_convert_type3A, %lt3A_405 : vector<64x10240xi32>
    %convert_element_type3A_407 = arith.extui %lt3A_406 : vector<64x10240xi1> to vector<64x10240xi32>
    %reduce_sum3A_408 = arith.constant dense<0> : vector<64xi32>
    %reduce_sum3A_409 = vector.multi_reduction <add>, %convert_element_type3A_407, %reduce_sum3A_408 [1] : vector<64x10240xi32> to vector<64xi32>
    %broadcast_in_dim3A_410 = vector.shape_cast %reduce_sum3A_409 : vector<64xi32> to vector<64x1xi32>
    %le3A_411 = arith.constant 63 : i32
    %le3A_412 = vector.broadcast %le3A_411 : i32 to vector<64x1xi32>
    %le3A_413 = arith.cmpi sle, %broadcast_in_dim3A_410, %le3A_412 : vector<64x1xi32>
    %select_n3A_414 = arith.select %le3A_413, %or3A_404, %select_n3A_401 : vector<64x1xi1>, vector<64x1xi32>
    %or3A_415 = arith.constant 2 : i32
    %or3A_416 = vector.broadcast %or3A_415 : i32 to vector<64x1xi32>
    %or3A_417 = arith.ori %select_n3A_414, %or3A_416 : vector<64x1xi32>
    %lt3A_418 = vector.broadcast %or3A_417 : vector<64x1xi32> to vector<64x10240xi32>
    %lt3A_419 = arith.cmpi slt, %bitcast_convert_type3A, %lt3A_418 : vector<64x10240xi32>
    %convert_element_type3A_420 = arith.extui %lt3A_419 : vector<64x10240xi1> to vector<64x10240xi32>
    %reduce_sum3A_421 = arith.constant dense<0> : vector<64xi32>
    %reduce_sum3A_422 = vector.multi_reduction <add>, %convert_element_type3A_420, %reduce_sum3A_421 [1] : vector<64x10240xi32> to vector<64xi32>
    %broadcast_in_dim3A_423 = vector.shape_cast %reduce_sum3A_422 : vector<64xi32> to vector<64x1xi32>
    %le3A_424 = arith.constant 63 : i32
    %le3A_425 = vector.broadcast %le3A_424 : i32 to vector<64x1xi32>
    %le3A_426 = arith.cmpi sle, %broadcast_in_dim3A_423, %le3A_425 : vector<64x1xi32>
    %select_n3A_427 = arith.select %le3A_426, %or3A_417, %select_n3A_414 : vector<64x1xi1>, vector<64x1xi32>
    %or3A_428 = arith.constant 1 : i32
    %or3A_429 = vector.broadcast %or3A_428 : i32 to vector<64x1xi32>
    %or3A_430 = arith.ori %select_n3A_427, %or3A_429 : vector<64x1xi32>
    %lt3A_431 = vector.broadcast %or3A_430 : vector<64x1xi32> to vector<64x10240xi32>
    %lt3A_432 = arith.cmpi slt, %bitcast_convert_type3A, %lt3A_431 : vector<64x10240xi32>
    %convert_element_type3A_433 = arith.extui %lt3A_432 : vector<64x10240xi1> to vector<64x10240xi32>
    %reduce_sum3A_434 = arith.constant dense<0> : vector<64xi32>
    %reduce_sum3A_435 = vector.multi_reduction <add>, %convert_element_type3A_433, %reduce_sum3A_434 [1] : vector<64x10240xi32> to vector<64xi32>
    %broadcast_in_dim3A_436 = vector.shape_cast %reduce_sum3A_435 : vector<64xi32> to vector<64x1xi32>
    %le3A_437 = arith.constant 63 : i32
    %le3A_438 = vector.broadcast %le3A_437 : i32 to vector<64x1xi32>
    %le3A_439 = arith.cmpi sle, %broadcast_in_dim3A_436, %le3A_438 : vector<64x1xi32>
    %select_n3A_440 = arith.select %le3A_439, %or3A_430, %select_n3A_427 : vector<64x1xi1>, vector<64x1xi32>
    %bitcast_convert_type3A_441 = tpu.bitcast %select_n3A_440 : vector<64x1xi32> -> vector<64x1xf32>
    %min3A = arith.constant 4.000000e+02 : f32
    %min3A_442 = vector.broadcast %min3A : f32 to vector<64x1xf32>
    %min3A_443 = arith.minimumf %bitcast_convert_type3A_441, %min3A_442 : vector<64x1xf32>
    %le3A_444 = vector.broadcast %min3A_443 : vector<64x1xf32> to vector<64x10240xf32>
    %le3A_445 = arith.cmpf ole, %max3A_38, %le3A_444 : vector<64x10240xf32>
    %reduce_or3A = arith.constant 1.000000e+00 : f32
    %reduce_or3A_446 = arith.constant 0.000000e+00 : f32
    %reduce_or3A_447 = vector.broadcast %reduce_or3A : f32 to vector<64x10240xf32>
    %reduce_or3A_448 = vector.broadcast %reduce_or3A_446 : f32 to vector<64x10240xf32>
    %reduce_or3A_449 = arith.select %le3A_445, %reduce_or3A_447, %reduce_or3A_448 : vector<64x10240xi1>, vector<64x10240xf32>
    %reduce_or3A_450 = arith.constant dense<0xFF800000> : vector<10240xf32>
    %reduce_or3A_451 = vector.multi_reduction <maximumf>, %reduce_or3A_449, %reduce_or3A_450 [0] : vector<64x10240xf32> to vector<10240xf32>
    %reduce_or3A_452 = arith.constant 0.000000e+00 : f32
    %reduce_or3A_453 = vector.broadcast %reduce_or3A_452 : f32 to vector<10240xf32>
    %reduce_or3A_454 = arith.cmpf ogt, %reduce_or3A_451, %reduce_or3A_453 : vector<10240xf32>
    %broadcast_in_dim3A_455 = vector.shape_cast %reduce_or3A_454 : vector<10240xi1> to vector<1x10240xi1>
    %convert_element_type3A_456 = arith.extui %broadcast_in_dim3A_455 : vector<1x10240xi1> to vector<1x10240xi32>
    %reduce_or3A_457 = arith.constant 1.000000e+00 : f32
    %reduce_or3A_458 = arith.constant 0.000000e+00 : f32
    %reduce_or3A_459 = vector.broadcast %reduce_or3A_457 : f32 to vector<64x10240xf32>
    %reduce_or3A_460 = vector.broadcast %reduce_or3A_458 : f32 to vector<64x10240xf32>
    %reduce_or3A_461 = arith.select %le3A_445, %reduce_or3A_459, %reduce_or3A_460 : vector<64x10240xi1>, vector<64x10240xf32>
    %reduce_or3A_462 = arith.constant dense<0xFF800000> : vector<64xf32>
    %reduce_or3A_463 = vector.multi_reduction <maximumf>, %reduce_or3A_461, %reduce_or3A_462 [1] : vector<64x10240xf32> to vector<64xf32>
    %reduce_or3A_464 = arith.constant 0.000000e+00 : f32
    %reduce_or3A_465 = vector.broadcast %reduce_or3A_464 : f32 to vector<64xf32>
    %reduce_or3A_466 = arith.cmpf ogt, %reduce_or3A_463, %reduce_or3A_465 : vector<64xf32>
    %convert_element_type3A_467 = arith.extui %reduce_or3A_466 : vector<64xi1> to vector<64xi32>
    %swap3A_468 = arith.constant 0 : index
    %swap3A_469 = arith.constant 0 : index
    %swap3A_470 = arith.constant 0 : index
    %swap3A_471 = vector.load %arg7[%swap3A_468, %swap3A_469, %swap3A_470] : memref<1x1x64xi32, #tpu.memory_space<vmem>>, vector<1x1x64xi32>
    %swap3A_472 = vector.shape_cast %swap3A_471 : vector<1x1x64xi32> to vector<64xi32>
    %swap3A_473 = vector.shape_cast %convert_element_type3A_467 : vector<64xi32> to vector<1x1x64xi32>
    tpu.vector_store %arg7[%swap3A_468, %swap3A_469, %swap3A_470], %swap3A_473 {strides = array<i32>} : memref<1x1x64xi32, #tpu.memory_space<vmem>>, vector<1x1x64xi32>,
    %eq3A = arith.constant 0 : i32
    %eq3A_474 = arith.cmpi eq, %arg0, %eq3A : i32
    %convert_element_type3A_475 = arith.extui %eq3A_474 : i1 to i32
    %cond3A = arith.constant 0 : i32
    %cond3A_476 = arith.cmpi ne, %convert_element_type3A_475, %cond3A : i32
    scf.if %cond3A_476 {
      %swap3A_481 = arith.constant 0 : index
      %swap3A_482 = arith.constant 0 : index
      %swap3A_483 = vector.load %arg6[%swap3A_481, %swap3A_482] : memref<1x10240xi32, #tpu.memory_space<vmem>>, vector<1x10240xi32>
      tpu.vector_store %arg6[%swap3A_481, %swap3A_482], %convert_element_type3A_456 {strides = array<i32>} : memref<1x10240xi32, #tpu.memory_space<vmem>>, vector<1x10240xi32>,
    } else {
    }
    %ne3A = arith.constant 0 : i32
    %ne3A_477 = arith.cmpi ne, %arg0, %ne3A : i32
    %convert_element_type3A_478 = arith.extui %ne3A_477 : i1 to i32
    %cond3A_479 = arith.constant 0 : i32
    %cond3A_480 = arith.cmpi ne, %convert_element_type3A_478, %cond3A_479 : i32
    scf.if %cond3A_480 {
      %get3A_481 = arith.constant 0 : index
      %get3A_482 = arith.constant 0 : index
      %get3A_483 = vector.load %arg6[%get3A_481, %get3A_482] : memref<1x10240xi32, #tpu.memory_space<vmem>>, vector<1x10240xi32>
      %or3A_484 = arith.ori %get3A_483, %convert_element_type3A_456 : vector<1x10240xi32>
      %swap3A_485 = arith.constant 0 : index
      %swap3A_486 = arith.constant 0 : index
      %swap3A_487 = vector.load %arg6[%swap3A_485, %swap3A_486] : memref<1x10240xi32, #tpu.memory_space<vmem>>, vector<1x10240xi32>
      tpu.vector_store %arg6[%swap3A_485, %swap3A_486], %or3A_484 {strides = array<i32>} : memref<1x10240xi32, #tpu.memory_space<vmem>>, vector<1x10240xi32>,
    } else {
    }
    return
  }
  func.func @transform_0(%arg0: i32) -> (i32, i32) {
    %c0_i32 = arith.constant 0 : i32
    %c0_i32_0 = arith.constant 0 : i32
    %c0_i32_1 = arith.constant 0 : i32
    return %c0_i32, %c0_i32_0 : i32, i32
  }
  func.func @transform_1(%arg0: i32) -> (i32, i32) {
    %c0_i32 = arith.constant 0 : i32
    %c0_i32_0 = arith.constant 0 : i32
    return %arg0, %c0_i32 : i32, i32
  }
  func.func @transform_2(%arg0: i32) -> (i32, i32) {
    %c0_i32 = arith.constant 0 : i32
    %c0_i32_0 = arith.constant 0 : i32
    return %arg0, %c0_i32 : i32, i32
  }
  func.func @transform_3(%arg0: i32) -> (i32, i32) {
    %c0_i32 = arith.constant 0 : i32
    %c0_i32_0 = arith.constant 0 : i32
    %c0_i32_1 = arith.constant 0 : i32
    return %c0_i32, %c0_i32_0 : i32, i32
  }
  func.func @transform_4(%arg0: i32) -> (i32, i32) {
    %c0_i32 = arith.constant 0 : i32
    %c0_i32_0 = arith.constant 0 : i32
    %c0_i32_1 = arith.constant 0 : i32
    return %c0_i32, %c0_i32_0 : i32, i32
  }
  func.func @transform_5(%arg0: i32) -> (i32, i32) {
    %c0_i32 = arith.constant 0 : i32
    %c0_i32_0 = arith.constant 0 : i32
    %c0_i32_1 = arith.constant 0 : i32
    return %c0_i32, %c0_i32_0 : i32, i32
  }
  func.func @transform_6(%arg0: i32) -> (i32, i32, i32) {
    %c0_i32 = arith.constant 0 : i32
    %c0_i32_0 = arith.constant 0 : i32
    %c0_i32_1 = arith.constant 0 : i32
    return %arg0, %c0_i32, %c0_i32_0 : i32, i32, i32
  }
  func.func @transform_7(%arg0: i32) -> (i32, i32) {
    %c0_i32 = arith.constant 0 : i32
    %c0_i32_0 = arith.constant 0 : i32
    return %arg0, %c0_i32 : i32, i32
  }
  func.func @transform_8(%arg0: i32) -> (i32, i32) {
    %c0_i32 = arith.constant 0 : i32
    %c0_i32_0 = arith.constant 0 : i32
    return %arg0, %c0_i32 : i32, i32
  }
}

module attributes {stable_mosaic.version = 14 : i64} {
  func.func @_s3_body(%arg0: i32, %arg1: memref<1024x128xf32, #tpu.memory_space<vmem>>, %arg2: memref<2x1024x64xf32, #tpu.memory_space<vmem>>, %arg3: memref<1024x16xf32, #tpu.memory_space<vmem>>, %arg4: memref<1024x1xi32, #tpu.memory_space<vmem>>, %arg5: memref<1024x1xi32, #tpu.memory_space<vmem>>, %arg6: memref<1x128xf32, #tpu.memory_space<vmem>>, %arg7: memref<16x128xf32, #tpu.memory_space<vmem>>, %arg8: memref<128x1xf32, #tpu.memory_space<vmem>>, %arg9: memref<1x1xf32, #tpu.memory_space<vmem>>, %arg10: memref<1024x1xi32, #tpu.memory_space<vmem>>) attributes {dimension_semantics = [#tpu.dimension_semantics<arbitrary>], iteration_bounds = array<i64: 10>, scalar_prefetch = 0 : i64, scratch_operands = 0 : i64, tpu.core_type = #tpu.core_type<tc>, window_params = [{transform_indices = @transform_0, window_bounds = array<i64: 1024, 128>}, {transform_indices = @transform_1, window_bounds = array<i64: 2, 1024, 64>}, {transform_indices = @transform_2, window_bounds = array<i64: 1024, 16>}, {transform_indices = @transform_3, window_bounds = array<i64: 1024, 1>}, {transform_indices = @transform_4, window_bounds = array<i64: 1024, 1>}, {pipeline_mode = #tpu.pipeline_mode<synchronous>, transform_indices = @transform_5, window_bounds = array<i64: 1, 128>}, {pipeline_mode = #tpu.pipeline_mode<synchronous>, transform_indices = @transform_6, window_bounds = array<i64: 16, 128>}, {pipeline_mode = #tpu.pipeline_mode<synchronous>, transform_indices = @transform_7, window_bounds = array<i64: 128, 1>}, {pipeline_mode = #tpu.pipeline_mode<synchronous>, transform_indices = @transform_8, window_bounds = array<i64: 1, 1>}, {transform_indices = @transform_9, window_bounds = array<i64: 1024, 1>}]} {
    %get3A = arith.constant 0 : index
    %get3A_0 = arith.constant 0 : index
    %get3A_1 = arith.constant 0 : index
    %get3A_2 = vector.load %arg2[%get3A, %get3A_0, %get3A_1] : memref<2x1024x64xf32, #tpu.memory_space<vmem>>, vector<1x1024x64xf32>
    %get3A_3 = vector.shape_cast %get3A_2 : vector<1x1024x64xf32> to vector<1024x64xf32>
    %get3A_4 = arith.constant 1 : index
    %get3A_5 = arith.constant 0 : index
    %get3A_6 = arith.constant 0 : index
    %get3A_7 = vector.load %arg2[%get3A_4, %get3A_5, %get3A_6] : memref<2x1024x64xf32, #tpu.memory_space<vmem>>, vector<1x1024x64xf32>
    %get3A_8 = vector.shape_cast %get3A_7 : vector<1x1024x64xf32> to vector<1024x64xf32>
    %concatenate3A = tpu.concatenate %get3A_3, %get3A_8 in 1 : vector<1024x64xf32>, vector<1024x64xf32> -> vector<1024x128xf32>
    %get3A_9 = arith.constant 0 : index
    %get3A_10 = arith.constant 0 : index
    %get3A_11 = vector.load %arg3[%get3A_9, %get3A_10] : memref<1024x16xf32, #tpu.memory_space<vmem>>, vector<1024x16xf32>
    %get3A_12 = arith.constant 0 : index
    %get3A_13 = arith.constant 0 : index
    %get3A_14 = vector.load %arg7[%get3A_12, %get3A_13] : memref<16x128xf32, #tpu.memory_space<vmem>>, vector<16x128xf32>
    %slice3A = vector.extract_strided_slice %get3A_11 {offsets = [0, 0], sizes = [1024, 1], strides = [1, 1]} : vector<1024x16xf32> to vector<1024x1xf32>
    %slice3A_15 = vector.extract_strided_slice %get3A_14 {offsets = [0, 0], sizes = [1, 128], strides = [1, 1]} : vector<16x128xf32> to vector<1x128xf32>
    %mul3A = vector.broadcast %slice3A : vector<1024x1xf32> to vector<1024x128xf32>
    %mul3A_16 = vector.broadcast %slice3A_15 : vector<1x128xf32> to vector<1024x128xf32>
    %mul3A_17 = arith.mulf %mul3A, %mul3A_16 : vector<1024x128xf32>
    %slice3A_18 = vector.extract_strided_slice %get3A_11 {offsets = [0, 1], sizes = [1024, 1], strides = [1, 1]} : vector<1024x16xf32> to vector<1024x1xf32>
    %slice3A_19 = vector.extract_strided_slice %get3A_14 {offsets = [1, 0], sizes = [1, 128], strides = [1, 1]} : vector<16x128xf32> to vector<1x128xf32>
    %mul3A_20 = vector.broadcast %slice3A_18 : vector<1024x1xf32> to vector<1024x128xf32>
    %mul3A_21 = vector.broadcast %slice3A_19 : vector<1x128xf32> to vector<1024x128xf32>
    %mul3A_22 = arith.mulf %mul3A_20, %mul3A_21 : vector<1024x128xf32>
    %add3A = arith.addf %mul3A_17, %mul3A_22 : vector<1024x128xf32>
    %slice3A_23 = vector.extract_strided_slice %get3A_11 {offsets = [0, 2], sizes = [1024, 1], strides = [1, 1]} : vector<1024x16xf32> to vector<1024x1xf32>
    %slice3A_24 = vector.extract_strided_slice %get3A_14 {offsets = [2, 0], sizes = [1, 128], strides = [1, 1]} : vector<16x128xf32> to vector<1x128xf32>
    %mul3A_25 = vector.broadcast %slice3A_23 : vector<1024x1xf32> to vector<1024x128xf32>
    %mul3A_26 = vector.broadcast %slice3A_24 : vector<1x128xf32> to vector<1024x128xf32>
    %mul3A_27 = arith.mulf %mul3A_25, %mul3A_26 : vector<1024x128xf32>
    %add3A_28 = arith.addf %add3A, %mul3A_27 : vector<1024x128xf32>
    %slice3A_29 = vector.extract_strided_slice %get3A_11 {offsets = [0, 3], sizes = [1024, 1], strides = [1, 1]} : vector<1024x16xf32> to vector<1024x1xf32>
    %slice3A_30 = vector.extract_strided_slice %get3A_14 {offsets = [3, 0], sizes = [1, 128], strides = [1, 1]} : vector<16x128xf32> to vector<1x128xf32>
    %mul3A_31 = vector.broadcast %slice3A_29 : vector<1024x1xf32> to vector<1024x128xf32>
    %mul3A_32 = vector.broadcast %slice3A_30 : vector<1x128xf32> to vector<1024x128xf32>
    %mul3A_33 = arith.mulf %mul3A_31, %mul3A_32 : vector<1024x128xf32>
    %add3A_34 = arith.addf %add3A_28, %mul3A_33 : vector<1024x128xf32>
    %slice3A_35 = vector.extract_strided_slice %get3A_11 {offsets = [0, 4], sizes = [1024, 1], strides = [1, 1]} : vector<1024x16xf32> to vector<1024x1xf32>
    %slice3A_36 = vector.extract_strided_slice %get3A_14 {offsets = [4, 0], sizes = [1, 128], strides = [1, 1]} : vector<16x128xf32> to vector<1x128xf32>
    %mul3A_37 = vector.broadcast %slice3A_35 : vector<1024x1xf32> to vector<1024x128xf32>
    %mul3A_38 = vector.broadcast %slice3A_36 : vector<1x128xf32> to vector<1024x128xf32>
    %mul3A_39 = arith.mulf %mul3A_37, %mul3A_38 : vector<1024x128xf32>
    %add3A_40 = arith.addf %add3A_34, %mul3A_39 : vector<1024x128xf32>
    %slice3A_41 = vector.extract_strided_slice %get3A_11 {offsets = [0, 5], sizes = [1024, 1], strides = [1, 1]} : vector<1024x16xf32> to vector<1024x1xf32>
    %slice3A_42 = vector.extract_strided_slice %get3A_14 {offsets = [5, 0], sizes = [1, 128], strides = [1, 1]} : vector<16x128xf32> to vector<1x128xf32>
    %mul3A_43 = vector.broadcast %slice3A_41 : vector<1024x1xf32> to vector<1024x128xf32>
    %mul3A_44 = vector.broadcast %slice3A_42 : vector<1x128xf32> to vector<1024x128xf32>
    %mul3A_45 = arith.mulf %mul3A_43, %mul3A_44 : vector<1024x128xf32>
    %add3A_46 = arith.addf %add3A_40, %mul3A_45 : vector<1024x128xf32>
    %slice3A_47 = vector.extract_strided_slice %get3A_11 {offsets = [0, 6], sizes = [1024, 1], strides = [1, 1]} : vector<1024x16xf32> to vector<1024x1xf32>
    %slice3A_48 = vector.extract_strided_slice %get3A_14 {offsets = [6, 0], sizes = [1, 128], strides = [1, 1]} : vector<16x128xf32> to vector<1x128xf32>
    %mul3A_49 = vector.broadcast %slice3A_47 : vector<1024x1xf32> to vector<1024x128xf32>
    %mul3A_50 = vector.broadcast %slice3A_48 : vector<1x128xf32> to vector<1024x128xf32>
    %mul3A_51 = arith.mulf %mul3A_49, %mul3A_50 : vector<1024x128xf32>
    %add3A_52 = arith.addf %add3A_46, %mul3A_51 : vector<1024x128xf32>
    %slice3A_53 = vector.extract_strided_slice %get3A_11 {offsets = [0, 7], sizes = [1024, 1], strides = [1, 1]} : vector<1024x16xf32> to vector<1024x1xf32>
    %slice3A_54 = vector.extract_strided_slice %get3A_14 {offsets = [7, 0], sizes = [1, 128], strides = [1, 1]} : vector<16x128xf32> to vector<1x128xf32>
    %mul3A_55 = vector.broadcast %slice3A_53 : vector<1024x1xf32> to vector<1024x128xf32>
    %mul3A_56 = vector.broadcast %slice3A_54 : vector<1x128xf32> to vector<1024x128xf32>
    %mul3A_57 = arith.mulf %mul3A_55, %mul3A_56 : vector<1024x128xf32>
    %add3A_58 = arith.addf %add3A_52, %mul3A_57 : vector<1024x128xf32>
    %slice3A_59 = vector.extract_strided_slice %get3A_11 {offsets = [0, 8], sizes = [1024, 1], strides = [1, 1]} : vector<1024x16xf32> to vector<1024x1xf32>
    %slice3A_60 = vector.extract_strided_slice %get3A_14 {offsets = [8, 0], sizes = [1, 128], strides = [1, 1]} : vector<16x128xf32> to vector<1x128xf32>
    %mul3A_61 = vector.broadcast %slice3A_59 : vector<1024x1xf32> to vector<1024x128xf32>
    %mul3A_62 = vector.broadcast %slice3A_60 : vector<1x128xf32> to vector<1024x128xf32>
    %mul3A_63 = arith.mulf %mul3A_61, %mul3A_62 : vector<1024x128xf32>
    %add3A_64 = arith.addf %add3A_58, %mul3A_63 : vector<1024x128xf32>
    %slice3A_65 = vector.extract_strided_slice %get3A_11 {offsets = [0, 9], sizes = [1024, 1], strides = [1, 1]} : vector<1024x16xf32> to vector<1024x1xf32>
    %slice3A_66 = vector.extract_strided_slice %get3A_14 {offsets = [9, 0], sizes = [1, 128], strides = [1, 1]} : vector<16x128xf32> to vector<1x128xf32>
    %mul3A_67 = vector.broadcast %slice3A_65 : vector<1024x1xf32> to vector<1024x128xf32>
    %mul3A_68 = vector.broadcast %slice3A_66 : vector<1x128xf32> to vector<1024x128xf32>
    %mul3A_69 = arith.mulf %mul3A_67, %mul3A_68 : vector<1024x128xf32>
    %add3A_70 = arith.addf %add3A_64, %mul3A_69 : vector<1024x128xf32>
    %slice3A_71 = vector.extract_strided_slice %get3A_11 {offsets = [0, 10], sizes = [1024, 1], strides = [1, 1]} : vector<1024x16xf32> to vector<1024x1xf32>
    %slice3A_72 = vector.extract_strided_slice %get3A_14 {offsets = [10, 0], sizes = [1, 128], strides = [1, 1]} : vector<16x128xf32> to vector<1x128xf32>
    %mul3A_73 = vector.broadcast %slice3A_71 : vector<1024x1xf32> to vector<1024x128xf32>
    %mul3A_74 = vector.broadcast %slice3A_72 : vector<1x128xf32> to vector<1024x128xf32>
    %mul3A_75 = arith.mulf %mul3A_73, %mul3A_74 : vector<1024x128xf32>
    %add3A_76 = arith.addf %add3A_70, %mul3A_75 : vector<1024x128xf32>
    %slice3A_77 = vector.extract_strided_slice %get3A_11 {offsets = [0, 11], sizes = [1024, 1], strides = [1, 1]} : vector<1024x16xf32> to vector<1024x1xf32>
    %slice3A_78 = vector.extract_strided_slice %get3A_14 {offsets = [11, 0], sizes = [1, 128], strides = [1, 1]} : vector<16x128xf32> to vector<1x128xf32>
    %mul3A_79 = vector.broadcast %slice3A_77 : vector<1024x1xf32> to vector<1024x128xf32>
    %mul3A_80 = vector.broadcast %slice3A_78 : vector<1x128xf32> to vector<1024x128xf32>
    %mul3A_81 = arith.mulf %mul3A_79, %mul3A_80 : vector<1024x128xf32>
    %add3A_82 = arith.addf %add3A_76, %mul3A_81 : vector<1024x128xf32>
    %slice3A_83 = vector.extract_strided_slice %get3A_11 {offsets = [0, 12], sizes = [1024, 1], strides = [1, 1]} : vector<1024x16xf32> to vector<1024x1xf32>
    %slice3A_84 = vector.extract_strided_slice %get3A_14 {offsets = [12, 0], sizes = [1, 128], strides = [1, 1]} : vector<16x128xf32> to vector<1x128xf32>
    %mul3A_85 = vector.broadcast %slice3A_83 : vector<1024x1xf32> to vector<1024x128xf32>
    %mul3A_86 = vector.broadcast %slice3A_84 : vector<1x128xf32> to vector<1024x128xf32>
    %mul3A_87 = arith.mulf %mul3A_85, %mul3A_86 : vector<1024x128xf32>
    %add3A_88 = arith.addf %add3A_82, %mul3A_87 : vector<1024x128xf32>
    %slice3A_89 = vector.extract_strided_slice %get3A_11 {offsets = [0, 13], sizes = [1024, 1], strides = [1, 1]} : vector<1024x16xf32> to vector<1024x1xf32>
    %slice3A_90 = vector.extract_strided_slice %get3A_14 {offsets = [13, 0], sizes = [1, 128], strides = [1, 1]} : vector<16x128xf32> to vector<1x128xf32>
    %mul3A_91 = vector.broadcast %slice3A_89 : vector<1024x1xf32> to vector<1024x128xf32>
    %mul3A_92 = vector.broadcast %slice3A_90 : vector<1x128xf32> to vector<1024x128xf32>
    %mul3A_93 = arith.mulf %mul3A_91, %mul3A_92 : vector<1024x128xf32>
    %add3A_94 = arith.addf %add3A_88, %mul3A_93 : vector<1024x128xf32>
    %slice3A_95 = vector.extract_strided_slice %get3A_11 {offsets = [0, 14], sizes = [1024, 1], strides = [1, 1]} : vector<1024x16xf32> to vector<1024x1xf32>
    %slice3A_96 = vector.extract_strided_slice %get3A_14 {offsets = [14, 0], sizes = [1, 128], strides = [1, 1]} : vector<16x128xf32> to vector<1x128xf32>
    %mul3A_97 = vector.broadcast %slice3A_95 : vector<1024x1xf32> to vector<1024x128xf32>
    %mul3A_98 = vector.broadcast %slice3A_96 : vector<1x128xf32> to vector<1024x128xf32>
    %mul3A_99 = arith.mulf %mul3A_97, %mul3A_98 : vector<1024x128xf32>
    %add3A_100 = arith.addf %add3A_94, %mul3A_99 : vector<1024x128xf32>
    %slice3A_101 = vector.extract_strided_slice %get3A_11 {offsets = [0, 15], sizes = [1024, 1], strides = [1, 1]} : vector<1024x16xf32> to vector<1024x1xf32>
    %slice3A_102 = vector.extract_strided_slice %get3A_14 {offsets = [15, 0], sizes = [1, 128], strides = [1, 1]} : vector<16x128xf32> to vector<1x128xf32>
    %mul3A_103 = vector.broadcast %slice3A_101 : vector<1024x1xf32> to vector<1024x128xf32>
    %mul3A_104 = vector.broadcast %slice3A_102 : vector<1x128xf32> to vector<1024x128xf32>
    %mul3A_105 = arith.mulf %mul3A_103, %mul3A_104 : vector<1024x128xf32>
    %add3A_106 = arith.addf %add3A_100, %mul3A_105 : vector<1024x128xf32>
    %get3A_107 = arith.constant 0 : index
    %get3A_108 = arith.constant 0 : index
    %get3A_109 = vector.load %arg1[%get3A_107, %get3A_108] : memref<1024x128xf32, #tpu.memory_space<vmem>>, vector<1024x128xf32>
    %get3A_110 = arith.constant 0 : index
    %get3A_111 = arith.constant 0 : index
    %get3A_112 = vector.load %arg6[%get3A_110, %get3A_111] : memref<1x128xf32, #tpu.memory_space<vmem>>, vector<1x128xf32>
    %add3A_113 = vector.broadcast %get3A_112 : vector<1x128xf32> to vector<1024x128xf32>
    %add3A_114 = arith.addf %get3A_109, %add3A_113 : vector<1024x128xf32>
    %add3A_115 = arith.addf %concatenate3A, %add3A_106 : vector<1024x128xf32>
    %add3A_116 = arith.addf %add3A_114, %add3A_115 : vector<1024x128xf32>
    %max3A = arith.constant 0.000000e+00 : f32
    %max3A_117 = vector.broadcast %max3A : f32 to vector<1024x128xf32>
    %max3A_118 = arith.maximumf %add3A_116, %max3A_117 : vector<1024x128xf32>
    %convert_element_type3A = arith.truncf %max3A_118 : vector<1024x128xf32> to vector<1024x128xbf16>
    %convert_element_type3A_119 = arith.extf %convert_element_type3A : vector<1024x128xbf16> to vector<1024x128xf32>
    %get3A_120 = arith.constant 0 : index
    %get3A_121 = arith.constant 0 : index
    %get3A_122 = vector.load %arg8[%get3A_120, %get3A_121] : memref<128x1xf32, #tpu.memory_space<vmem>>, vector<128x1xf32>
    %dot_general3A = arith.constant dense<0.000000e+00> : vector<1024x1xf32>
    %dot_general3A_123 = tpu.matmul %convert_element_type3A_119, %get3A_122, %dot_general3A {dimension_numbers = #tpu.dot_dimension_numbers<[1], [0], [0], [1], [0, 0, 1, 1], [], []>, transpose_lhs_hint = false} : vector<1024x128xf32>, vector<128x1xf32>, vector<1024x1xf32> -> vector<1024x1xf32>
    %get3A_124 = arith.constant 0 : index
    %get3A_125 = arith.constant 0 : index
    %get3A_126 = vector.load %arg9[%get3A_124, %get3A_125] : memref<1x1xf32, #tpu.memory_space<vmem>>, vector<1x1xf32>
    %add3A_127 = vector.broadcast %get3A_126 : vector<1x1xf32> to vector<1024x1xf32>
    %add3A_128 = arith.addf %dot_general3A_123, %add3A_127 : vector<1024x1xf32>
    %max3A_129 = arith.constant 0.000000e+00 : f32
    %max3A_130 = vector.broadcast %max3A_129 : f32 to vector<1024x1xf32>
    %max3A_131 = arith.maximumf %add3A_128, %max3A_130 : vector<1024x1xf32>
    %get3A_132 = arith.constant 0 : index
    %get3A_133 = arith.constant 0 : index
    %get3A_134 = vector.load %arg4[%get3A_132, %get3A_133] : memref<1024x1xi32, #tpu.memory_space<vmem>>, vector<1024x1xi32>
    %get3A_135 = arith.constant 0 : index
    %get3A_136 = arith.constant 0 : index
    %get3A_137 = vector.load %arg5[%get3A_135, %get3A_136] : memref<1024x1xi32, #tpu.memory_space<vmem>>, vector<1024x1xi32>
    %add3A_138 = arith.addi %get3A_134, %get3A_137 : vector<1024x1xi32>
    %gt3A = arith.constant 0 : i32
    %gt3A_139 = vector.broadcast %gt3A : i32 to vector<1024x1xi32>
    %gt3A_140 = arith.cmpi sgt, %add3A_138, %gt3A_139 : vector<1024x1xi32>
    %gt3A_141 = arith.constant 1.000000e-01 : f32
    %gt3A_142 = vector.broadcast %gt3A_141 : f32 to vector<1024x1xf32>
    %gt3A_143 = arith.cmpf ogt, %max3A_131, %gt3A_142 : vector<1024x1xf32>
    %and3A = arith.andi %gt3A_140, %gt3A_143 : vector<1024x1xi1>
    %convert_element_type3A_144 = arith.extui %and3A : vector<1024x1xi1> to vector<1024x1xi32>
    %swap3A = arith.constant 0 : index
    %swap3A_145 = arith.constant 0 : index
    %swap3A_146 = vector.load %arg10[%swap3A, %swap3A_145] : memref<1024x1xi32, #tpu.memory_space<vmem>>, vector<1024x1xi32>
    tpu.vector_store %arg10[%swap3A, %swap3A_145], %convert_element_type3A_144 {strides = array<i32>} : memref<1024x1xi32, #tpu.memory_space<vmem>>, vector<1024x1xi32>,
    return
  }
  func.func @transform_0(%arg0: i32) -> (i32, i32) {
    %c0_i32 = arith.constant 0 : i32
    %c0_i32_0 = arith.constant 0 : i32
    return %arg0, %c0_i32 : i32, i32
  }
  func.func @transform_1(%arg0: i32) -> (i32, i32, i32) {
    %c0_i32 = arith.constant 0 : i32
    %c0_i32_0 = arith.constant 0 : i32
    %c0_i32_1 = arith.constant 0 : i32
    return %c0_i32, %arg0, %c0_i32_0 : i32, i32, i32
  }
  func.func @transform_2(%arg0: i32) -> (i32, i32) {
    %c0_i32 = arith.constant 0 : i32
    %c0_i32_0 = arith.constant 0 : i32
    return %arg0, %c0_i32 : i32, i32
  }
  func.func @transform_3(%arg0: i32) -> (i32, i32) {
    %c0_i32 = arith.constant 0 : i32
    %c0_i32_0 = arith.constant 0 : i32
    return %arg0, %c0_i32 : i32, i32
  }
  func.func @transform_4(%arg0: i32) -> (i32, i32) {
    %c0_i32 = arith.constant 0 : i32
    %c0_i32_0 = arith.constant 0 : i32
    return %arg0, %c0_i32 : i32, i32
  }
  func.func @transform_5(%arg0: i32) -> (i32, i32) {
    %c0_i32 = arith.constant 0 : i32
    %c0_i32_0 = arith.constant 0 : i32
    %c0_i32_1 = arith.constant 0 : i32
    return %c0_i32, %c0_i32_0 : i32, i32
  }
  func.func @transform_6(%arg0: i32) -> (i32, i32) {
    %c0_i32 = arith.constant 0 : i32
    %c0_i32_0 = arith.constant 0 : i32
    %c0_i32_1 = arith.constant 0 : i32
    return %c0_i32, %c0_i32_0 : i32, i32
  }
  func.func @transform_7(%arg0: i32) -> (i32, i32) {
    %c0_i32 = arith.constant 0 : i32
    %c0_i32_0 = arith.constant 0 : i32
    %c0_i32_1 = arith.constant 0 : i32
    return %c0_i32, %c0_i32_0 : i32, i32
  }
  func.func @transform_8(%arg0: i32) -> (i32, i32) {
    %c0_i32 = arith.constant 0 : i32
    %c0_i32_0 = arith.constant 0 : i32
    %c0_i32_1 = arith.constant 0 : i32
    return %c0_i32, %c0_i32_0 : i32, i32
  }
  func.func @transform_9(%arg0: i32) -> (i32, i32) {
    %c0_i32 = arith.constant 0 : i32
    %c0_i32_0 = arith.constant 0 : i32
    return %arg0, %c0_i32 : i32, i32
  }
}

</mosaic_0001>

<sc_bundles>
// kernel: kernel.5.cloned.1.call-start
scs
__scs_entry_jumppad:
0x0: {  	(pc) =	sbr.rel $0x88, $3  }
0x1: {  	(tag) =	ssettag $0x0;
	lr =	simm.s32 $0x1  }
0x2: {  	[smem:$0x3F97] =	sst lr;
	_ =	strace $0xD0000000  }
0x3: {  	_ = 	snop  }
0x4: {  	_ = 	snop  }
0x5: {  	_ = 	snop  }
0x6: {  	_ = 	snop  }
0x7: {  	_ = 	snop  }
__scs_overlays_trampoline_lowered:
0x8: {  	[smem:$0x3FA6] =	sst s0  }
0x9: {  	[smem:$0x3FA7] =	sst s1  }
0xa: {  	[smem:$0x3FA8] =	sst s2  }
0xb: {  	[smem:$0x3FA9] =	sst s3  }
0xc: {  	[smem:$0x3FAA] =	sst s4  }
0xd: {  	[smem:$0x3FAB] =	sst s5  }
0xe: {  	[smem:$0x3FAC] =	sst s6  }
0xf: {  	[smem:$0x3FAD] =	sst s7  }
0x10: {  	[smem:$0x3FAE] =	sst s8  }
0x11: {  	[smem:$0x3FAF] =	sst s9;
	s0 =	simm.s32 @!p0 $0x0  }
0x12: {  	s1 =	sld [smem:$0x3F95];
	s0 =	simm.s32 @p0 $0x1  }
0x13: {  	[smem:$0x3FB0] =	sst s0;
	s0 =	simm.s32 @!p1 $0x0  }
0x14: {  	s2 =	sld [smem:$0x3F94];
	s0 =	simm.s32 @p1 $0x1  }
0x15: {  	[smem:$0x3FB1] =	sst s0;
	s0 =	simm.s32 @!p2 $0x0  }
0x16: {  	s3 =	sld [smem:$0x3FDB];
	s0 =	simm.s32 @p2 $0x1  }
0x17: {  	s4 =	simm.s32 $0x1BF5;
	[smem:$0x3FB3] =	sst s0  }
0x18: {  	s0 =	sld [smem:$0x3F96];
	_ =	swait.ge [sflag:s4], $0x0  }
0x19: {  	s7 =	sld [smem:$0x3F97]  }
0x1a: {  	s8 =	sadd.s32 $0xFFFFE003, lr  }
0x1b: {  	s9 =	sadd.s32 $0xFFFFFEF7, lr;
	s5 =	simm.s32 $0xFFFFFFFF;
	p2 =	slt.u32 s8, $0xFFFFF086  }
0x1c: {  	p1 =	slt.u32 s9, $0xF7A;
	s5 =	simm.s32 @!p2 $0x0  }
0x1d: {  	s5 =	simm.s32 @p1 $0x1;
	p0 =	seq.s32 s7, s2  }
0x1e: {  	s7 =	smul.u32 @!p0 $0xF7A, s2;
	p2 =	seq.s32 @!p0 s5, $0x0  }
0x1f: {  	s9 =	smul.u32 $0xF7A, s1;
	s8 =	simm.s32 @!p0 $0x1BF5;
	p2 =	por !p2, p0  }
0x20: {  	[sflag:s8] =	ssyncset.s32 @!p0 $0xFFFFF086;
	s6 =	sadd.s32 @!p0 s3, s7;
	s7 =	simm.s32 @!p0 $0x108  }
0x21: {  	s3 =	sadd.s32 s3, s9;
	s6 =	sadd.s32 @!p0 $0x88, s6;
	s7 =	simm.s32 @p2 $0x1082  }
0x22: {  	[simem:s7], [sflag:s8] =	dma.local @!p0 [hbm:s6], $0xF7A  }
0x23: {  	s9 =	sor.u32 $0xD0000000, s2;
	s6 =	simm.s32 $0x108;
	_ =	swait.ge @!p0 [sflag:s8], $0x0  }
0x24: {  	s3 =	sadd.s32 $0x88, s3;
	s6 =	simm.s32 @!p1 $0x1082;
	[sflag:s4] =	ssyncset.s32 $0xFFFFF086  }
0x25: {  	[simem:s6], [sflag:s4] =	dma.local [hbm:s3], $0xF7A  }
0x26: {  	[smem:$0x3F97] =	sst s1;
	(tag) =	ssettag s2;
	_ =	strace s9  }
0x27: {  	s1 =	sld [smem:$0x3FA7]  }
0x28: {  	s2 =	sld [smem:$0x3FA8]  }
0x29: {  	s4 =	sld [smem:$0x3FAA]  }
0x2a: {  	p0 =	seq.s32 s5, $0x0;
	s5 =	sld [smem:$0x3FAB]  }
0x2b: {  	s6 =	sld [smem:$0x3FAC]  }
0x2c: {  	s7 =	sld [smem:$0x3FAD]  }
0x2d: {  	s3 =	simm.s32 $0x108;
	s8 =	sld [smem:$0x3FAE]  }
0x2e: {  	s3 =	simm.s32 @!p0 $0x1082;
	s9 =	sld [smem:$0x3FAF]  }
0x2f: {  	lr =	sadd.s32 s0, s3;
	s0 =	sld [smem:$0x3FA6]  }
0x30: {  	s3 =	sld [smem:$0x3FA9]  }
0x31: {  	[smem:$0x3FB2] =	sst s10  }
0x32: {  	s10 =	sld [smem:$0x3FB0];
	_ =	sdelay $0x3  }
0x33: {  	p0 =	seq.s32 s10, $0x1;
	s10 =	sld [smem:$0x3FB2];
	_ =	sdelay $0x3  }
0x34: {  	[smem:$0x3FB2] =	sst s10  }
0x35: {  	s10 =	sld [smem:$0x3FB1];
	_ =	sdelay $0x3  }
0x36: {  	p1 =	seq.s32 s10, $0x1;
	s10 =	sld [smem:$0x3FB2];
	_ =	sdelay $0x3  }
0x37: {  	[smem:$0x3FB2] =	sst s10  }
0x38: {  	s10 =	sld [smem:$0x3FB3]  }
0x39: {  	_ = 	snop;
	(pc) =	sbr.ind lr, $3  }
0x3a: {  	_ = 	snop  }
0x3b: {  	_ = 	snop  }
0x3c: {  	p2 =	seq.s32 s10, $0x1;
	s10 =	sld [smem:$0x3FB2]  }
0x3d: {  	_ =	shalt  }
0x3e: {  	_ =	shalt  }
0x3f: {  	_ =	shalt  }
0x40: {  	_ =	shalt  }
0x41: {  	_ =	shalt  }
0x42: {  	_ =	shalt  }
0x43: {  	_ =	shalt  }
0x44: {  	_ =	shalt  }
0x45: {  	_ =	shalt  }
0x46: {  	_ =	shalt  }
0x47: {  	_ =	shalt  }
0x48: {  	_ =	shalt  }
0x49: {  	_ =	shalt  }
0x4a: {  	_ =	shalt  }
0x4b: {  	_ =	shalt  }
0x4c: {  	_ =	shalt  }
0x4d: {  	_ =	shalt  }
0x4e: {  	_ =	shalt  }
0x4f: {  	_ =	shalt  }
0x50: {  	_ =	shalt  }
0x51: {  	_ =	shalt  }
0x52: {  	_ =	shalt  }
0x53: {  	_ =	shalt  }
0x54: {  	_ =	shalt  }
0x55: {  	_ =	shalt  }
0x56: {  	_ =	shalt  }
0x57: {  	_ =	shalt  }
0x58: {  	_ =	shalt  }
0x59: {  	_ =	shalt  }
0x5a: {  	_ =	shalt  }
0x5b: {  	_ =	shalt  }
0x5c: {  	_ =	shalt  }
0x5d: {  	_ =	shalt  }
0x5e: {  	_ =	shalt  }
0x5f: {  	_ =	shalt  }
0x60: {  	_ =	shalt  }
0x61: {  	_ =	shalt  }
0x62: {  	_ =	shalt  }
0x63: {  	_ =	shalt  }
0x64: {  	_ =	shalt  }
0x65: {  	_ =	shalt  }
0x66: {  	_ =	shalt  }
0x67: {  	_ =	shalt  }
0x68: {  	_ =	shalt  }
0x69: {  	_ =	shalt  }
0x6a: {  	_ =	shalt  }
0x6b: {  	_ =	shalt  }
0x6c: {  	_ =	shalt  }
0x6d: {  	_ =	shalt  }
0x6e: {  	_ =	shalt  }
0x6f: {  	_ =	shalt  }
0x70: {  	_ =	shalt  }
0x71: {  	_ =	shalt  }
0x72: {  	_ =	shalt  }
0x73: {  	_ =	shalt  }
0x74: {  	_ =	shalt  }
0x75: {  	_ =	shalt  }
0x76: {  	_ =	shalt  }
0x77: {  	_ =	shalt  }
0x78: {  	_ =	shalt  }
0x79: {  	_ =	shalt  }
0x7a: {  	_ =	shalt  }
0x7b: {  	_ =	shalt  }
0x7c: {  	_ =	shalt  }
0x7d: {  	_ =	shalt  }
0x7e: {  	_ =	shalt  }
0x7f: {  	_ =	shalt  }
0x80: {  	_ =	shalt  }
0x81: {  	_ =	shalt  }
0x82: {  	_ =	shalt  }
0x83: {  	_ =	shalt  }
0x84: {  	_ =	shalt  }
0x85: {  	_ =	shalt  }
0x86: {  	_ =	shalt  }
0x87: {  	_ =	shalt  }
.Lfunc_end0:
.L_simem_size_0:
called_computation_lowered:
.L_overlay_start_0:
0x88: {  	s2 =	sld [smem:$0x3FD9]  }
0x89: {  	s3 =	sld [smem:$0x3FFE];
	_ =	sdelay $0x1  }
0x8a: {  	s1 =	srdreg.scid  }
0x8b: {  	s0 =	sand.u32 $0x1, s1  }
0x8c: {  	s16 =	sshll.u32 s0, $0xA;
	s2 =	sadd.s32 s3, s2  }
0x8d: {  	s2 =	sadd.s32 s2, s16  }
0x8e: {  	[smem:$0x3FBE] =	sst s2  }
0x8f: {  	_ = 	snop  }
0x90: {  	(tm) =	ssettm $0x1  }
0x91: {  	s17 =	sld [smem:$0x3FFB];
	_ =	sdelay $0x3  }
0x92: {  	_ =	strace s17  }
0x93: {  	s2 =	sld [smem:$0x3FFC];
	_ =	sdelay $0x3  }
0x94: {  	_ =	strace s2  }
0x95: {  	s2 =	sld [smem:$0x3FFD];
	_ =	sdelay $0x3  }
0x96: {  	_ =	strace s2  }
0x97: {  	_ =	strace $0x8FFFFFFF  }
0x98: {  	s18 =	sld [smem:$0x3FDB];
	_ =	sdelay $0x1  }
0x99: {  	s19 =	simm.s32 $_scs_section_size  }
0x9a: {  	s4 =	simm.s32 $_size__tile_overlayer_lowered;
	s5 =	simm.s32 $_tile_overlayer_lowered  }
0x9b: {  	s22 =	simm.s32 $0x1BFF;
	s21 =	sshll.u32 s5, $0x1;
	s2 =	sadd.s32 s19, s18  }
0x9c: {  	s6 =	simm.s32 $0x0;
	s20 =	sshll.u32 s4, $0x1;
	s4 =	sadd.s32 s21, s2  }
0x9d: {  	[timem:s6], [sflag:s22] =	dma.local [hbm:s4], s20  }
0x9e: {  	_ =	swait.ge [sflag:s22], s20  }
0x9f: {  	s3 =	ssub.s32 $0x0, s20;
	[sflag:s22] =	ssyncset.done $0x0  }
0xa0: {  	[sflag:s22] =	ssyncadd.s32 s3;
	_ =	sdelay $0x1  }
0xa1: {  	s23 =	simm.s32 $0x1B8B  }
0xa2: {  	_ =	swait.ge [sflag:s23], $0x1  }
0xa3: {  	[sflag:s23] =	ssyncset.done $0x0  }
0xa4: {  	s25 =	simm.s32 $0x1B8E;
	s24 =	sld [smem:$0x3FFE];
	[sflag:s23] =	ssyncadd.s32 $0xFFFFFFFF  }
0xa5: {  	s26 =	simm.s32 $execute0_lowered;
	[smem:$0x3FD2] =	sst s25  }
0xa6: {  	s4 =	sshll.u32 s26, $0x1;
	_ =	strace $0x80000046;
	[dreg:$0x1] =	wrdreg $0xFFFFFFFF  }
0xa7: {  	s28 =	simm.s32 $_size_execute0_lowered;
	s2 =	sadd.s32 s2, s4;
	[dreg:$0x0] =	wrdreg $0x0  }
0xa8: {  	s4 =	sshll.u32 s28, $0x1;
	[dreg:$0x2] =	wrdreg s2  }
0xa9: {  	[dreg:$0x3] =	wrdreg s4  }
0xaa: {  	[dreg:$0x4] =	wrdreg $0xC0  }
0xab: {  	_ =	task [dreg:s6], $0x5FFFF  }
0xac: {  	[dreg:$0x1] =	wrdreg $0xFFFFFFFF  }
0xad: {  	[dreg:$0x0] =	wrdreg $0x60  }
0xae: {  	[dreg:$0x2] =	wrdreg s24  }
0xaf: {  	[dreg:$0x3] =	wrdreg $0x73000  }
0xb0: {  	[dreg:$0x4] =	wrdreg $0x115000  }
0xb1: {  	[dreg:$0x5] =	wrdreg $0x9  }
0xb2: {  	_ =	task.clear_ibuf [dreg:s6], $0x6FFFF;
	_ =	strace $0x90000046  }
0xb3: {  	s29 =	simm.s32 $0x9;
	_ =	strace $0x80000048  }
0xb4: {  	_ =	swait.ge [sflag:s29], $0x1  }
0xb5: {  	[sflag:s29] =	ssyncadd.s32 $0xFFFFFFFF  }
0xb6: {  	_ =	strace $0x90000048  }
0xb7: {  	_ =	sfence  }
0xb8: {  	s30 =	sld [smem:$0x0];
	_ =	sdelay $0x2  }
0xb9: {  	s31 =	sshll.u32 s1, $0xD;
	s1 =	sshrl.u32 s1, $0x2  }
0xba: {  	s3 =	sand.u32 $0x4000, s31;
	s1 =	sadd.s32 s1, s30  }
0xbb: {  	s0 =	sor.u32 s3, s0;
	s1 =	sshll.u32 s1, $0x11  }
0xbc: {  	s0 =	sor.u32 s1, s0  }
0xbd: {  	s0 =	sadd.s32 $0x8F2B, s0  }
0xbe: {  	[sflag:s0] =	ssyncadd.remote.s32 $0x1  }
0xbf: {  	_ =	sfence.sel $0xFFFF  }
0xc0: {  	[dreg:$0x0] =	wrdreg $0xFFFFFFFF;
	(pc) =	sbr.abs _section_cstart, $3  }
0xc1: {  	[dreg:$0x1] =	wrdreg $0xFFFFFFFF  }
0xc2: {  	_ =	task.clear_ibuf [dreg:s6], $0x2FFFF;
	_ =	strace $0x9FFFFFFF  }
0xc3: {  	(tm) =	ssettm $0x7FFFFFFF  }
tec
execute0_lowered:
.L_overlay_start_1:
0x0: {  	(tag) =	ssettag $0x1  }
0x1: {  	s0 =	rddreg [dreg:$0x0]  }
0x2: {  	s1 =	rddreg [dreg:$0x1];
	s17 =	stileid.u32  }
0x3: {  	s2 =	rddreg [dreg:$0x2];
	s11 =	smul.u32 $0xA200, s17  }
0x4: {  	s3 =	srdreg.scid;
	s4 =	simm.s32 $0x0;
	s12 =	smul.u32 $0x2880, s17  }
0x5: {  	s3 =	sand.u32 $0x1, s3;
	[smem:$0x7FF] =	sst s4;
	s10 =	smul.u32 $0x4E20, s17  }
0x6: {  	s5 =	sadd.s32 $0x5B200, s0;
	s6 =	sadd.s32 $0x51400, s0;
	s20 =	smul.u32 $0x28800, s17  }
0x7: {  	s7 =	sadd.s32 $0x547000, s0;
	s9 =	sadd.s32 $0x29C00, s0;
	s8 =	smul.u32 $0xA2000, s3  }
0x8: {  	_ =	strace $0x80000047;
	[dreg:$0x4] =	wrdreg s9;
	s9 =	sadd.s32 $0x2A200, s0  }
0x9: {  	s14 =	ssub.s32 $0x2, s3;
	s23 =	smul.u32 $0x2710, s3;
	p0 =	sne.s32 s3, $0x0  }
0xa: {  	s13 =	sshrl.u32 s12, $0x3;
	s19 =	sshrl.u32 s14, $0x1;
	s15 =	sadd.s32 $0x4E00, s10  }
0xb: {  	s22 =	sshrl.u32 s20, $0x2;
	s8 =	sadd.s32 s11, s8;
	s16 =	sshrl.u32 s15, $0x3  }
0xc: {  	s15 =	sshll.u32 s15, $0x1;
	v0 =	vmov s23;
	s23 =	simm.s32 $0x20;
	s18 =	sadd.s32 s5, s16  }
0xd: {  	s8 =	sshrl.u32 s8, $0x3;
	s16 =	sadd.s32 s6, s16;
	[dreg:$0x5] =	wrdreg s18  }
0xe: {  	s15 =	sadd.s32 s7, s15;
	s8 =	sadd.s32 s8, s0;
	[dreg:$0x6] =	wrdreg s16  }
0xf: {  	s0 =	sadd.s32 s13, s0;
	[dreg:$0x7] =	wrdreg s15;
	s8 =	sadd.s32 $0x65000, s8  }
0x10: {  	s13 =	ssub.s32 s14, s19;
	s0 =	sadd.s32 $0x8D800, s0;
	[dreg:$0x8] =	wrdreg s8  }
0x11: {  	s14 =	smul.u32 $0x288, s17;
	s21 =	smax.u32 s13, $0x1;
	[dreg:$0x9] =	wrdreg s0  }
0x12: {  	s8 =	sadd.s32 s11, s1;
	s0 =	sadd.s32 s12, s2;
	[dreg:$0xa] =	wrdreg s21  }
0x13: {  	s11 =	sshrl.u32 s11, $0x2;
	s24 =	sadd.s32 $0x48, s14;
	s12 =	sadd.s32 s22, s1  }
0x14: {  	s28 =	sadd.s32 $0x90, s14;
	s31 =	sadd.s32 $0xD8, s14;
	s15 =	sadd.s32 $0x120, s14  }
0x15: {  	s17 =	sadd.s32 $0x168, s14;
	s20 =	sadd.s32 $0x1B0, s14;
	s22 =	sadd.s32 $0x1F8, s14  }
0x16: {  	[dreg:$0xb] =	wrdreg s12;
	s11 =	sadd.s32 s11, s2;
	s25 =	sshll.u32 s24, $0x6  }
0x17: {  	s26 =	sshll.u32 s24, $0x4;
	s30 =	sshll.u32 s28, $0x6;
	s3 =	sshll.u32 s28, $0x4  }
0x18: {  	s12 =	sshll.u32 s31, $0x6;
	s16 =	sshll.u32 s15, $0x6;
	s18 =	sshll.u32 s17, $0x6  }
0x19: {  	s19 =	sshll.u32 s17, $0x4;
	s21 =	sshll.u32 s20, $0x6;
	s24 =	sshll.u32 s20, $0x4  }
0x1a: {  	s28 =	sadd.s32 $0x240, s14;
	s14 =	simm.s32 $0x3480;
	s17 =	simm.s32 $0x6E80  }
0x1b: {  	s20 =	simm.s32 $0x280;
	[dreg:$0xc] =	wrdreg s11;
	s11 =	sadd.s32 s25, s1  }
0x1c: {  	s29 =	sadd.s32 s26, s2;
	s3 =	sadd.s32 s3, s2;
	[dreg:$0xd] =	wrdreg s11  }
0x1d: {  	s25 =	sshll.u32 s22, $0x6;
	[dreg:$0xe] =	wrdreg s29;
	s11 =	sadd.s32 s30, s1  }
0x1e: {  	[dreg:$0x10] =	wrdreg s3;
	s3 =	sadd.s32 s12, s1;
	s26 =	sadd.s32 s25, s1  }
0x1f: {  	s29 =	sshll.u32 s22, $0x4;
	s30 =	sshll.u32 s28, $0x6;
	[dreg:$0xf] =	wrdreg s11  }
0x20: {  	s12 =	sshrl.u32 s8, $0x3;
	s22 =	simm.s32 $0x100;
	[dreg:$0x11] =	wrdreg s3  }
0x21: {  	s11 =	sshll.u32 s31, $0x4;
	[dreg:$0x19] =	wrdreg s26;
	s31 =	sadd.s32 s30, s1  }
0x22: {  	s25 =	simm.s32 $0x0;
	s13 =	sadd.s32 s11, s2;
	[dreg:$0x1b] =	wrdreg s31  }
0x23: {  	s3 =	sshll.u32 s15, $0x4;
	s11 =	sadd.s32 s16, s1;
	[dreg:$0x12] =	wrdreg s13  }
0x24: {  	s15 =	simm.s32 $0x2;
	s3 =	sadd.s32 s3, s2;
	[dreg:$0x13] =	wrdreg s11  }
0x25: {  	s26 =	simm.s32 $0x0;
	[dreg:$0x14] =	wrdreg s3;
	s3 =	sadd.s32 s18, s1  }
0x26: {  	s16 =	simm.s32 $0x5C80;
	[dreg:$0x15] =	wrdreg s3;
	s3 =	sadd.s32 s19, s2  }
0x27: {  	s11 =	sadd.s32 s29, s2;
	[dreg:$0x16] =	wrdreg s3;
	s3 =	sadd.s32 s21, s1  }
0x28: {  	s13 =	sshrl.u32 @!p0 s0, $0x3;
	[dreg:$0x17] =	wrdreg s3;
	s3 =	sadd.s32 s24, s2  }
0x29: {  	s18 =	simm.s32 $0x80;
	[dreg:$0x18] =	wrdreg s3;
	s3 =	sshll.u32 s28, $0x4  }
0x2a: {  	v3 =	vlaneseq.u32;
	[dreg:$0x1a] =	wrdreg s11;
	s19 =	simm.s32 $0x180;
	s3 =	sadd.s32 s3, s2  }
0x2b: {  	v1 =	vimm.f32 $0.0e+00;
	v2 =	vor.u32 $0x2800, v3;
	v3 =	vor.u32 $0x2810, v3;
	s21 =	simm.s32 $0x1;
	s24 =	simm.s32 $0x2A80;
	[dreg:$0x1c] =	wrdreg s3  }
.LBB2_1:
0x2c: {  	s0 =	rddreg [dreg:$0x4]  }
0x2d: {  	[tilespmem:s14], [sflag:$0x2] =	stream.linear.gather [hbm4b:s0+s4], $0x2800, $0x38;
	[tilespmem:$0x13D80] =	vst v63  }
0x2e: {  	_ =	swait.ge [sflag:s15], $0x2800  }
0x2f: {  	[sflag:s15] =	ssyncset.done $0x0  }
0x30: {  	s3 =	simm.s32 $0x0;
	[sflag:s15] =	ssyncadd.s32 $0xFFFFD800  }
0x31: {  	s0 =	simm.s32 $0x5CA0;
	[tilespmem:s3+$0x6E80] =	vst v1  }
0x32: {  	[tilespmem:s0+$0xFFFFFFE0] =	vst v1  }
0x33: {  	[tilespmem:s0+$0xFFFFFFF0] =	vst v1  }
0x34: {  	[tilespmem:s0+$0x0] =	vst v1  }
0x35: {  	s3 =	simm.s32 $0x40;
	[tilespmem:s0+$0x10] =	vst v1  }
.LBB2_2:
0x36: {  	s8 =	sshra.s32 s3, $0x2;
	p1 =	sne.s32 s3, $0x11C0  }
.Ltmp0:
0x37: {  	s3 =	sadd.s32 $0x40, s3;
	s0 =	sadd.s32 $0x40, s0;
	[tilespmem:s8+$0x6E80] =	vst v1;
	(pc) =	sbr.rel @p1 .LBB2_2-.Ltmp0, $4  }
0x38: {  	[tilespmem:s0+$0xFFFFFFE0] =	vst v1  }
0x39: {  	[tilespmem:s0+$0xFFFFFFF0] =	vst v1  }
0x3a: {  	[tilespmem:s0+$0x0] =	vst v1  }
0x3b: {  	[tilespmem:s0+$0x10] =	vst v1  }
0x3c: {  	s0 =	rddreg [dreg:$0xb]  }
0x3d: {  	[spmem:s0] =	stream.linear.scatter [tilespmem:s16], [sflag:$0x2], $0x1200, $0x38;
	[tilespmem:$0x13D80] =	vst v63  }
0x3e: {  	_ =	swait.ge [sflag:s15], $0x1200  }
0x3f: {  	[sflag:s15] =	ssyncset.done $0x0  }
0x40: {  	s8 =	rddreg [dreg:$0xc];
	[sflag:s15] =	ssyncadd.s32 $0xFFFFEE00  }
0x41: {  	[spmem:s8] =	stream.linear.scatter [tilespmem:s17], [sflag:$0x2], $0x480, $0x38;
	[tilespmem:$0x13D80] =	vst v63  }
0x42: {  	_ =	swait.ge [sflag:s15], $0x480  }
0x43: {  	[sflag:s15] =	ssyncset.done $0x0  }
0x44: {  	s11 =	rddreg [dreg:$0xd];
	[sflag:s15] =	ssyncadd.s32 $0xFFFFFB80  }
0x45: {  	[spmem:s11] =	stream.linear.scatter [tilespmem:s16], [sflag:$0x2], $0x1200, $0x38;
	[tilespmem:$0x13D80] =	vst v63  }
0x46: {  	_ =	swait.ge [sflag:s15], $0x1200  }
0x47: {  	[sflag:s15] =	ssyncset.done $0x0  }
0x48: {  	s29 =	rddreg [dreg:$0xe];
	[sflag:s15] =	ssyncadd.s32 $0xFFFFEE00  }
0x49: {  	[spmem:s29] =	stream.linear.scatter [tilespmem:s17], [sflag:$0x2], $0x480, $0x38;
	[tilespmem:$0x13D80] =	vst v63  }
0x4a: {  	_ =	swait.ge [sflag:s15], $0x480  }
0x4b: {  	[sflag:s15] =	ssyncset.done $0x0  }
0x4c: {  	s30 =	rddreg [dreg:$0xf];
	[sflag:s15] =	ssyncadd.s32 $0xFFFFFB80  }
0x4d: {  	[spmem:s30] =	stream.linear.scatter [tilespmem:s16], [sflag:$0x2], $0x1200, $0x38;
	[tilespmem:$0x13D80] =	vst v63  }
0x4e: {  	_ =	swait.ge [sflag:s15], $0x1200  }
0x4f: {  	[sflag:s15] =	ssyncset.done $0x0  }
0x50: {  	s31 =	rddreg [dreg:$0x10];
	[sflag:s15] =	ssyncadd.s32 $0xFFFFEE00  }
0x51: {  	[spmem:s31] =	stream.linear.scatter [tilespmem:s17], [sflag:$0x2], $0x480, $0x38;
	[tilespmem:$0x13D80] =	vst v63  }
0x52: {  	_ =	swait.ge [sflag:s15], $0x480  }
0x53: {  	[sflag:s15] =	ssyncset.done $0x0  }
0x54: {  	s3 =	rddreg [dreg:$0x11];
	[sflag:s15] =	ssyncadd.s32 $0xFFFFFB80  }
0x55: {  	[spmem:s3] =	stream.linear.scatter [tilespmem:s16], [sflag:$0x2], $0x1200, $0x38;
	[tilespmem:$0x13D80] =	vst v63  }
0x56: {  	_ =	swait.ge [sflag:s15], $0x1200  }
0x57: {  	[sflag:s15] =	ssyncset.done $0x0  }
0x58: {  	s8 =	rddreg [dreg:$0x12];
	[sflag:s15] =	ssyncadd.s32 $0xFFFFEE00  }
0x59: {  	[spmem:s8] =	stream.linear.scatter [tilespmem:s17], [sflag:$0x2], $0x480, $0x38;
	[tilespmem:$0x13D80] =	vst v63  }
0x5a: {  	_ =	swait.ge [sflag:s15], $0x480  }
0x5b: {  	[sflag:s15] =	ssyncset.done $0x0  }
0x5c: {  	s11 =	rddreg [dreg:$0x13];
	[sflag:s15] =	ssyncadd.s32 $0xFFFFFB80  }
0x5d: {  	[spmem:s11] =	stream.linear.scatter [tilespmem:s16], [sflag:$0x2], $0x1200, $0x38;
	[tilespmem:$0x13D80] =	vst v63  }
0x5e: {  	_ =	swait.ge [sflag:s15], $0x1200  }
0x5f: {  	[sflag:s15] =	ssyncset.done $0x0  }
0x60: {  	s29 =	rddreg [dreg:$0x14];
	[sflag:s15] =	ssyncadd.s32 $0xFFFFEE00  }
0x61: {  	[spmem:s29] =	stream.linear.scatter [tilespmem:s17], [sflag:$0x2], $0x480, $0x38;
	[tilespmem:$0x13D80] =	vst v63  }
0x62: {  	_ =	swait.ge [sflag:s15], $0x480  }
0x63: {  	[sflag:s15] =	ssyncset.done $0x0  }
0x64: {  	s30 =	rddreg [dreg:$0x15];
	[sflag:s15] =	ssyncadd.s32 $0xFFFFFB80  }
0x65: {  	[spmem:s30] =	stream.linear.scatter [tilespmem:s16], [sflag:$0x2], $0x1200, $0x38;
	[tilespmem:$0x13D80] =	vst v63  }
0x66: {  	_ =	swait.ge [sflag:s15], $0x1200  }
0x67: {  	[sflag:s15] =	ssyncset.done $0x0  }
0x68: {  	s31 =	rddreg [dreg:$0x16];
	[sflag:s15] =	ssyncadd.s32 $0xFFFFEE00  }
0x69: {  	[spmem:s31] =	stream.linear.scatter [tilespmem:s17], [sflag:$0x2], $0x480, $0x38;
	[tilespmem:$0x13D80] =	vst v63  }
0x6a: {  	_ =	swait.ge [sflag:s15], $0x480  }
0x6b: {  	[sflag:s15] =	ssyncset.done $0x0  }
0x6c: {  	s3 =	rddreg [dreg:$0x17];
	[sflag:s15] =	ssyncadd.s32 $0xFFFFFB80  }
0x6d: {  	[spmem:s3] =	stream.linear.scatter [tilespmem:s16], [sflag:$0x2], $0x1200, $0x38;
	[tilespmem:$0x13D80] =	vst v63  }
0x6e: {  	_ =	swait.ge [sflag:s15], $0x1200  }
0x6f: {  	[sflag:s15] =	ssyncset.done $0x0  }
0x70: {  	s8 =	rddreg [dreg:$0x18];
	[sflag:s15] =	ssyncadd.s32 $0xFFFFEE00  }
0x71: {  	[spmem:s8] =	stream.linear.scatter [tilespmem:s17], [sflag:$0x2], $0x480, $0x38;
	[tilespmem:$0x13D80] =	vst v63  }
0x72: {  	_ =	swait.ge [sflag:s15], $0x480  }
0x73: {  	[sflag:s15] =	ssyncset.done $0x0  }
0x74: {  	s11 =	rddreg [dreg:$0x19];
	[sflag:s15] =	ssyncadd.s32 $0xFFFFFB80  }
0x75: {  	[spmem:s11] =	stream.linear.scatter [tilespmem:s16], [sflag:$0x2], $0x1200, $0x38;
	[tilespmem:$0x13D80] =	vst v63  }
0x76: {  	_ =	swait.ge [sflag:s15], $0x1200  }
0x77: {  	[sflag:s15] =	ssyncset.done $0x0  }
0x78: {  	s29 =	rddreg [dreg:$0x1a];
	[sflag:s15] =	ssyncadd.s32 $0xFFFFEE00  }
0x79: {  	[spmem:s29] =	stream.linear.scatter [tilespmem:s17], [sflag:$0x2], $0x480, $0x38;
	[tilespmem:$0x13D80] =	vst v63  }
0x7a: {  	_ =	swait.ge [sflag:s15], $0x480  }
0x7b: {  	[sflag:s15] =	ssyncset.done $0x0  }
0x7c: {  	s30 =	rddreg [dreg:$0x1b];
	[sflag:s15] =	ssyncadd.s32 $0xFFFFFB80  }
0x7d: {  	[spmem:s30] =	stream.linear.scatter [tilespmem:s16], [sflag:$0x2], $0x1200, $0x38;
	[tilespmem:$0x13D80] =	vst v63  }
0x7e: {  	_ =	swait.ge [sflag:s15], $0x1200  }
0x7f: {  	[sflag:s15] =	ssyncset.done $0x0  }
0x80: {  	s31 =	rddreg [dreg:$0x1c];
	[sflag:s15] =	ssyncadd.s32 $0xFFFFEE00  }
0x81: {  	[spmem:s31] =	stream.linear.scatter [tilespmem:s17], [sflag:$0x2], $0x480, $0x38;
	[tilespmem:$0x13D80] =	vst v63  }
0x82: {  	_ =	swait.ge [sflag:s15], $0x480  }
0x83: {  	[sflag:s15] =	ssyncset.done $0x0  }
0x84: {  	[sflag:s15] =	ssyncadd.s32 $0xFFFFFB80  }
0x85: {  	s28 =	simm.s32 $0x0;
	[bflag:$0x0] =	sbarrier.arrive $0xFFFF  }
.LBB2_4:
0x86: {  	s0 =	sshll.u32 s28, $0x7  }
0x87: {  	s29 =	sadd.s32 s10, s0  }
0x88: {  	s0 =	sshrl.u32 s29, $0x3  }
0x89: {  	s3 =	sadd.s32 s5, s0  }
0x8a: {  	[tilespmem:s26], [sflag:$0x2] =	stream.linear.gather [hbm4b:s3+s26], $0x80, $0x38;
	[tilespmem:$0x13D80] =	vst v63  }
0x8b: {  	_ =	swait.ge [sflag:s15], $0x80  }
0x8c: {  	[sflag:s15] =	ssyncset.done $0x0  }
0x8d: {  	s11 =	simm.s32 $0x80;
	s0 =	sadd.s32 s6, s0;
	[sflag:s15] =	ssyncadd.s32 $0xFFFFFF80  }
0x8e: {  	[tilespmem:s11], [sflag:$0x2] =	stream.linear.gather [hbm4b:s0+s26], $0x80, $0x38;
	[tilespmem:$0x13D80] =	vst v63  }
0x8f: {  	_ =	swait.ge [sflag:s15], $0x80  }
0x90: {  	[sflag:s15] =	ssyncset.done $0x0  }
0x91: {  	[sflag:s15] =	ssyncadd.s32 $0xFFFFFF80  }
0x92: {  	v4 =	vld [tilespmem:s26+$0x0]  }
0x93: {  	v5 =	vld [tilespmem:s11+$0x0];
	_ =	sdelay $0x6  }
0x94: {  	v6 =	vld.idx.msk [tilespmem:v4+s14+$0x0], $0xffff  }
0x95: {  	v7 =	vld.idx.msk [tilespmem:v5+s14+$0x0], $0xffff;
	_ =	sdelay $0x4  }
0x96: {  	vm0 =	vgt.s32 v6, $0x0;
	vm1 =	vgt.s32 v7, $0x0  }
0x97: {  	s31 =	simm.s32 $0x180;
	v4 =	vadd.s32 v0, v4;
	v6 =	vor.u32 s26, v2;
	vm0 =	vmand vm0, vm1  }
0x98: {  	s30 =	simm.s32 $0x100;
	[tilespmem:s31+$0x0] =	vst v4;
	v4 =	vsel vm0, v5, v6  }
0x99: {  	s0 =	simm.s32 $0x10;
	[tilespmem:s30+$0x0] =	vst v4  }
0x9a: {  	s3 =	simm.s32 $0x90;
	v5 =	vld [tilespmem:s0+$0x0]  }
0x9b: {  	s8 =	simm.s32 $0x20;
	s11 =	simm.s32 $0x10;
	v4 =	vld [tilespmem:s3+$0x0]  }
.LBB2_5:
0x9c: {  	p1 =	sne.s32 s8, $0x70;
	_ =	sdelay $0x2  }
0x9d: {  	v6 =	vadd.s32 v0, v5;
	_ =	sdelay $0x2  }
0x9e: {  	s31 =	sadd.s32 $0x10, s31;
	v5 =	vld.idx.msk [tilespmem:v5+s14+$0x0], $0xffff  }
0x9f: {  	v7 =	vld.idx.msk [tilespmem:v4+s14+$0x0], $0xffff;
	[tilespmem:s31+$0x0] =	vst v6;
	_ =	sdelay $0x5  }
0xa0: {  	vm0 =	vgt.s32 v5, $0x0;
	vm1 =	vgt.s32 v7, $0x0  }
.Ltmp1:
0xa1: {  	v5 =	vor.u32 s0, v2;
	s0 =	smov.u32 s8;
	vm0 =	vmand vm0, vm1;
	(pc) =	sbr.rel @p1 .LBB2_5-.Ltmp1, $4  }
0xa2: {  	s30 =	sadd.s32 $0x10, s30;
	v4 =	vsel vm0, v4, v5  }
0xa3: {  	s11 =	sadd.s32 $0x10, s11;
	[tilespmem:s30+$0x0] =	vst v4  }
0xa4: {  	s3 =	sadd.s32 $0x10, s3;
	v5 =	vld [tilespmem:s11+$0x0]  }
0xa5: {  	s8 =	sadd.s32 $0x10, s8;
	v4 =	vld [tilespmem:s3+$0x0]  }
0xa6: {  	_ =	sdelay $0x6  }
0xa7: {  	v6 =	vld.idx.msk [tilespmem:v5+s14+$0x0], $0xffff  }
0xa8: {  	v7 =	vld.idx.msk [tilespmem:v4+s14+$0x0], $0xffff;
	_ =	sdelay $0x4  }
0xa9: {  	vm0 =	vgt.s32 v6, $0x0;
	vm1 =	vgt.s32 v7, $0x0  }
0xaa: {  	s3 =	sadd.s32 $0x10, s31;
	v63 =	vor.u32 s0, v2;
	v5 =	vadd.s32 v0, v5;
	vm0 =	vmand vm0, vm1  }
0xab: {  	s31 =	sadd.s32 $0x10, s30;
	[tilespmem:s3+$0x0] =	vst v5;
	v4 =	vsel vm0, v4, v63  }
0xac: {  	s0 =	sshll.u32 @!p0 s29, $0x1;
	s30 =	simm.s32 @!p0 $0x0;
	[tilespmem:s31+$0x0] =	vst v4  }
0xad: {  	[tilespmem:s20], [sflag:$0x1] =	stream.indirect.gather [hbm4b:s9+s18], $0x40, s19, s18, $0xb8;
	[tilespmem:$0x13D80] =	vst v63  }
0xae: {  	s29 =	simm.s32 @!p0 $0x2;
	s0 =	sadd.s32 @!p0 s7, s0;
	s3 =	simm.s32 @!p0 $0x2280  }
0xaf: {  	[tilespmem:s3], [sflag:$0x2] =	stream.linear.gather @!p0 [hbm4b:s0+s30], $0x800, $0x38;
	[tilespmem:$0x13D80] =	vst v63  }
0xb0: {  	_ =	swait.ge @!p0 [sflag:s29], $0x800  }
0xb1: {  	[sflag:s29] =	ssyncset.done @!p0 $0x0  }
0xb2: {  	s8 =	simm.s32 @!p0 $0x100;
	s0 =	simm.s32 @!p0 $0x80;
	[sflag:s29] =	ssyncadd.s32 @!p0 $0xFFFFF800  }
0xb3: {  	[spmem:s2] =	stream.indirect.scatter.add.f32 @!p0 [tilespmem:s3], [sflag:$0x2], $0x10, s8, s0, $0xb8;
	[tilespmem:$0x13D80] =	vst v63  }
0xb4: {  	_ =	swait.ge @!p0 [sflag:s29], $0x800  }
0xb5: {  	[sflag:s29] =	ssyncset.done @!p0 $0x0  }
0xb6: {  	[sflag:s29] =	ssyncadd.s32 @!p0 $0xFFFFF800  }
0xb7: {  	s28 =	sadd.s32 $0x1, s28;
	_ =	swait.ge [sflag:s21], $0x2000  }
0xb8: {  	p1 =	sne.s32 s28, $0x9C;
	[sflag:s21] =	ssyncset.done $0x0  }
.Ltmp2:
0xb9: {  	[sflag:s21] =	ssyncadd.s32 $0xFFFFE000;
	(pc) =	sbr.rel @p1 .LBB2_4-.Ltmp2, $4  }
0xba: {  	[spmem:s1] =	stream.indirect.scatter.add.f32 [tilespmem:s20], [sflag:$0x2], $0x40, s22, s18, $0xb8;
	[tilespmem:$0x13D80] =	vst v63  }
0xbb: {  	_ =	swait.ge [sflag:s15], $0x2000  }
0xbc: {  	[sflag:s15] =	ssyncset.done $0x0  }
0xbd: {  	[sflag:s15] =	ssyncadd.s32 $0xFFFFE000  }
0xbe: {  	s0 =	rddreg [dreg:$0x5];
	s3 =	simm.s32 $0x200  }
0xbf: {  	[tilespmem:s3], [sflag:$0x2] =	stream.linear.gather [hbm4b:s0+s4], $0x20, $0x38;
	[tilespmem:$0x13D80] =	vst v63  }
0xc0: {  	_ =	swait.ge [sflag:s15], $0x20  }
0xc1: {  	[sflag:s15] =	ssyncset.done $0x0  }
0xc2: {  	s31 =	simm.s32 $0x220;
	s28 =	rddreg [dreg:$0x6];
	[sflag:s15] =	ssyncadd.s32 $0xFFFFFFE0  }
0xc3: {  	[tilespmem:s31], [sflag:$0x2] =	stream.linear.gather [hbm4b:s28+s4], $0x20, $0x38;
	[tilespmem:$0x13D80] =	vst v63  }
0xc4: {  	_ =	swait.ge [sflag:s15], $0x20  }
0xc5: {  	[sflag:s15] =	ssyncset.done $0x0  }
0xc6: {  	[sflag:s15] =	ssyncadd.s32 $0xFFFFFFE0  }
0xc7: {  	v4 =	vld [tilespmem:$0x200]  }
0xc8: {  	v5 =	vld [tilespmem:$0x220];
	_ =	sdelay $0x6  }
0xc9: {  	v6 =	vld.idx.msk [tilespmem:v4+s14+$0x0], $0xffff  }
0xca: {  	v7 =	vld.idx.msk [tilespmem:v5+s14+$0x0], $0xffff  }
0xcb: {  	v8 =	vld [tilespmem:$0x210]  }
0xcc: {  	v9 =	vld [tilespmem:$0x230];
	_ =	sdelay $0x2  }
0xcd: {  	vm0 =	vgt.s32 v6, $0x0;
	vm1 =	vgt.s32 v7, $0x0  }
0xce: {  	v4 =	vadd.s32 v0, v4;
	vm0 =	vmand vm0, vm1  }
0xcf: {  	[tilespmem:$0x260] =	vst v4;
	v4 =	vsel vm0, v5, v2  }
0xd0: {  	[tilespmem:$0x240] =	vst v4  }
0xd1: {  	v4 =	vld.idx.msk [tilespmem:v8+s14+$0x0], $0xffff  }
0xd2: {  	v5 =	vld.idx.msk [tilespmem:v9+s14+$0x0], $0xffff;
	_ =	sdelay $0x4  }
0xd3: {  	vm14 =	vgt.s32 v4, $0x0;
	vm15 =	vgt.s32 v5, $0x0  }
0xd4: {  	v4 =	vadd.s32 v0, v8;
	vm0 =	vmand vm14, vm15  }
0xd5: {  	[tilespmem:$0x270] =	vst v4;
	v4 =	vsel vm0, v9, v3  }
0xd6: {  	s8 =	simm.s32 $0x260;
	[tilespmem:$0x250] =	vst v4  }
0xd7: {  	[tilespmem:s24], [sflag:$0x1] =	stream.indirect.gather [hbm4b:s9+s23], $0x40, s8, s23, $0xb8;
	[tilespmem:$0x13D80] =	vst v63  }
0xd8: {  	s0 =	simm.s32 @!p0 $0x3280;
	s3 =	rddreg [dreg:$0x7]  }
0xd9: {  	[tilespmem:s0], [sflag:$0x2] =	stream.linear.gather @!p0 [hbm4b:s3+s30], $0x200, $0x38;
	[tilespmem:$0x13D80] =	vst v63  }
0xda: {  	_ =	swait.ge @!p0 [sflag:s29], $0x200  }
0xdb: {  	[sflag:s29] =	ssyncset.done @!p0 $0x0  }
0xdc: {  	s8 =	simm.s32 @!p0 $0x240;
	s3 =	simm.s32 @!p0 $0x20;
	[sflag:s29] =	ssyncadd.s32 @!p0 $0xFFFFFE00  }
0xdd: {  	[spmem:s2] =	stream.indirect.scatter.add.f32 @!p0 [tilespmem:s0], [sflag:$0x2], $0x10, s8, s3, $0xb8;
	[tilespmem:$0x13D80] =	vst v63  }
0xde: {  	_ =	swait.ge @!p0 [sflag:s29], $0x200  }
0xdf: {  	[sflag:s29] =	ssyncset.done @!p0 $0x0  }
0xe0: {  	[sflag:s29] =	ssyncadd.s32 @!p0 $0xFFFFFE00  }
0xe1: {  	_ =	swait.ge [sflag:s21], $0x800  }
0xe2: {  	[sflag:s21] =	ssyncset.done $0x0  }
0xe3: {  	s11 =	simm.s32 $0x240;
	[sflag:s21] =	ssyncadd.s32 $0xFFFFF800  }
0xe4: {  	[spmem:s1] =	stream.indirect.scatter.add.f32 [tilespmem:s24], [sflag:$0x2], $0x40, s11, s23, $0xb8;
	[tilespmem:$0x13D80] =	vst v63  }
0xe5: {  	_ =	swait.ge [sflag:s15], $0x800  }
0xe6: {  	[sflag:s15] =	ssyncset.done $0x0  }
0xe7: {  	s28 =	stileid.u32;
	[sflag:s15] =	ssyncadd.s32 $0xFFFFF800  }
0xe8: {  	s0 =	sshll.u32 s28, $0x6;
	[bflag:$0x0] =	sbarrier.arrive $0xFFFF  }
0xe9: {  	s0 =	sor.u32 $0x1C02, s0;
	s30 =	rddreg [dreg:$0x8]  }
0xea: {  	[hbm:s30], [sflag:s0] =	dma.local [spmem:s12], $0x1440  }
0xeb: {  	_ =	swait.ge [sflag:s15], $0x1440  }
0xec: {  	[sflag:s15] =	ssyncset.done $0x0  }
0xed: {  	s3 =	rddreg [dreg:$0x9];
	[sflag:s15] =	ssyncadd.s32 $0xFFFFEBC0  }
0xee: {  	[hbm:s3], [sflag:s0] =	dma.local @!p0 [spmem:s13], $0x510  }
0xef: {  	_ =	swait.ge @!p0 [sflag:s29], $0x510  }
0xf0: {  	s25 =	sadd.s32 $0x1, s25;
	s31 =	rddreg [dreg:$0xa]  }
0xf1: {  	p1 =	sne.s32 s25, s31  }
.Ltmp3:
0xf2: {  	_ = 	snop;
	(pc) =	sbr.rel @p1 .LBB2_1-.Ltmp3, $3  }
0xf3: {  	_ =	sdelay $0x1  }
0xf4: {  	[sflag:s29] =	ssyncset.done @!p0 $0x0  }
0xf5: {  	[sflag:s29] =	ssyncadd.s32 @!p0 $0xFFFFFAF0  }
0xf6: {  	_ =	sfence.sel $0x180000  }
0xf7: {  	[bflag:$0x0] =	sbarrier.arrive $0xFFFF  }
0xf8: {  	_ =	strace $0x90000047  }
0xf9: {  	s0 =	stileid.u32;
	[bflag:$0x2] =	sbarrier.arrive $0xFFFF  }
0xfa: {  	p0 =	sne.s32 s0, $0x0;
	s0 =	rddreg [dreg:$0x3]  }
0xfb: {  	s0 =	sadd.s32 @!p0 $0x100000, s0  }
0xfc: {  	[sflag:s0] =	ssyncadd.tile.s32 @!p0 $0x1;
	_ =	shalt  }
.Lfunc_end2:
_tile_overlayer_lowered:
.L_overlay_start_2:
0xfd: {  	(tag) =	ssettag $0x2  }
0xfe: {  	s0 =	rddreg [dreg:$0x0];
	s2 =	stileid.u32  }
0xff: {  	s1 =	rddreg [dreg:$0x1];
	p0 =	sne.s32 s2, $0x0  }
0x100: {  	s3 =	rddreg [dreg:$0x2];
	[bflag:$0x3] =	sbarrier.arrive $0xFFFF;
	s2 =	simm.s32 @!p0 $0x1C02  }
0x101: {  	[timem:s3], [sflag:s2] =	dma.local @!p0 [hbm:s0], s1  }
0x102: {  	s0 =	simm.s32 @!p0 $0x2  }
0x103: {  	_ =	swait.ge @!p0 [sflag:s0], s1  }
0x104: {  	s1 =	ssub.s32 @!p0 $0x0, s1;
	[sflag:s0] =	ssyncset.done @!p0 $0x0  }
0x105: {  	[sflag:s0] =	ssyncadd.s32 @!p0 s1  }
0x106: {  	[bflag:$0x3] =	sbarrier.arrive $0xFFFF  }
0x107: {  	_ =	shalt  }

</sc_bundles>
